<compile_context>
chip_gen: v7x
topology: tpu7x:2x2x1
jax: 0.10.2.dev20260603
libtpu: 0.0.44.dev20260713+nightly
codegen_flags: <defaults>
</compile_context>

<pallas_src>
import functools

import jax
import jax.numpy as jnp
from jax import lax
from jax.experimental import pallas as pl
from jax.experimental.pallas import tpu as pltpu
from jax.experimental.pallas import tpu_sc as plsc

N = 10000
E = 320000
D_FEAT = 128
D_EDGE = 16
IN_FEATS = D_FEAT + D_EDGE
H_FEATS = 128

NC = 2
NS = 16
NW = NC * NS
EB = 80
E_PER_W = E // NW
NBLK = E_PER_W // EB
N_CHUNK = 624
N_TAIL = N - NS * N_CHUNK

_SC_MESH = plsc.VectorSubcoreMesh(core_axis_name="c", subcore_axis_name="s")


def _zero_fill(zb, nrows, ncols):
    zrow = jnp.zeros((16,), jnp.float32)

    def body(i, _):
        for c in range(ncols // 16):
            zb[i, pl.ds(c * 16, 16)] = zrow
        return 0

    lax.fori_loop(0, nrows, body, 0)


ZB_ROWS = 16


def _zero_acc(zb, acc, sid):
    base = sid * N_CHUNK

    def body(k, _):
        pltpu.sync_copy(zb, acc.at[pl.ds(base + k * ZB_ROWS, ZB_ROWS)])
        return 0

    lax.fori_loop(0, N_CHUNK // ZB_ROWS, body, 0)

    @pl.when(sid == 0)
    def _():
        pltpu.sync_copy(zb, acc.at[pl.ds(NS * N_CHUNK, N_TAIL)])


def _write_acc(acc, out, cid, sid):
    base = sid * N_CHUNK
    pltpu.sync_copy(acc.at[pl.ds(base, N_CHUNK)],
                    out.at[cid, pl.ds(base, N_CHUNK)])

    @pl.when(sid == 0)
    def _():
        pltpu.sync_copy(acc.at[pl.ds(NS * N_CHUNK, N_TAIL)],
                        out.at[cid, pl.ds(NS * N_CHUNK, N_TAIL)])


@functools.partial(
    pl.kernel,
    mesh=_SC_MESH,
    compiler_params=pltpu.CompilerParams(use_tc_tiling_on_sc=False),
    out_type=(
        jax.ShapeDtypeStruct((NC, N, D_EDGE), jnp.float32),
        jax.ShapeDtypeStruct((NC, N, D_EDGE), jnp.float32),
    ),
    scratch_types=[
        pltpu.VMEM((EB,), jnp.int32),
        pltpu.VMEM((EB, D_EDGE), jnp.float32),
        pltpu.VMEM((EB, D_EDGE), jnp.float32),
        pltpu.VMEM((ZB_ROWS, D_EDGE), jnp.float32),
        pltpu.VMEM_SHARED((N, D_EDGE), jnp.float32),
        pltpu.VMEM_SHARED((N, D_EDGE), jnp.float32),
    ],
)
def _sc_edge_mean(fe_hbm, dst_hbm, esum_out, deg_out,
                  dst_v, val_v, ones_v, zb, acc_e, acc_d):
    cid = lax.axis_index("c")
    sid = lax.axis_index("s")
    wid = sid * NC + cid
    ebase = wid * E_PER_W

    one = jnp.ones((16,), jnp.float32)

    def fill_ones(i, _):
        ones_v[i, :] = one
        return 0

    lax.fori_loop(0, EB, fill_ones, 0)
    _zero_fill(zb, ZB_ROWS, D_EDGE)

    _zero_acc(zb, acc_e, sid)
    _zero_acc(zb, acc_d, sid)
    plsc.subcore_barrier()

    def step(i, _):
        off = ebase + i * EB
        pltpu.sync_copy(dst_hbm.at[pl.ds(off, EB)], dst_v)
        pltpu.sync_copy(fe_hbm.at[pl.ds(off, EB)], val_v)
        pltpu.sync_copy(val_v, acc_e.at[dst_v], add=True)
        pltpu.sync_copy(ones_v, acc_d.at[dst_v], add=True)
        return 0

    lax.fori_loop(0, NBLK, step, 0)
    plsc.subcore_barrier()

    _write_acc(acc_e, esum_out, cid, sid)
    _write_acc(acc_d, deg_out, cid, sid)


@functools.partial(
    pl.kernel,
    mesh=_SC_MESH,
    out_type=jax.ShapeDtypeStruct((NC, N, H_FEATS), jnp.float32),
    scratch_types=[
        pltpu.VMEM((EB,), jnp.int32),
        pltpu.VMEM((EB,), jnp.int32),
        pltpu.VMEM((EB, H_FEATS), jnp.float32),
        pltpu.VMEM((ZB_ROWS, H_FEATS), jnp.float32),
        pltpu.VMEM_SHARED((N, H_FEATS), jnp.float32),
        pltpu.SemaphoreType.DMA,
    ],
)
def _sc_agg(z_hbm, src_hbm, dst_hbm, s_out,
            src_v, dst_v, rows_v, zb, acc, sem):
    cid = lax.axis_index("c")
    sid = lax.axis_index("s")
    wid = sid * NC + cid
    ebase = wid * E_PER_W

    _zero_fill(zb, ZB_ROWS, H_FEATS)
    _zero_acc(zb, acc, sid)
    plsc.subcore_barrier()

    def step(i, _):
        off = ebase + i * EB
        pltpu.sync_copy(src_hbm.at[pl.ds(off, EB)], src_v)
        pltpu.sync_copy(dst_hbm.at[pl.ds(off, EB)], dst_v)
        pltpu.async_copy(z_hbm.at[src_v], rows_v, sem).wait()
        pltpu.sync_copy(rows_v, acc.at[dst_v], add=True)
        return 0

    lax.fori_loop(0, NBLK, step, 0)
    plsc.subcore_barrier()

    _write_acc(acc, s_out, cid, sid)


_RB = 2000
_GRID = N // _RB


def _stage_a_body(fn_ref, e_ref, d_ref, w_ref, h_ref, z_ref, deg_ref):
    d = d_ref[0] + d_ref[1]
    deg = jnp.maximum(d[:, 0:1], 1.0)
    he = (e_ref[0] + e_ref[1]) / deg
    h = jnp.concatenate([fn_ref[...], he], axis=1)
    h_ref[...] = h
    z_ref[...] = jnp.dot(h, w_ref[...], preferred_element_type=jnp.float32)
    deg_ref[...] = deg


def _stage_a(fn, esum, dsum, w_neigh1):
    return pl.pallas_call(
        _stage_a_body,
        grid=(_GRID,),
        in_specs=[
            pl.BlockSpec((_RB, D_FEAT), lambda i: (i, 0)),
            pl.BlockSpec((NC, _RB, D_EDGE), lambda i: (0, i, 0)),
            pl.BlockSpec((NC, _RB, D_EDGE), lambda i: (0, i, 0)),
            pl.BlockSpec((IN_FEATS, H_FEATS), lambda i: (0, 0)),
        ],
        out_specs=[
            pl.BlockSpec((_RB, IN_FEATS), lambda i: (i, 0)),
            pl.BlockSpec((_RB, H_FEATS), lambda i: (i, 0)),
            pl.BlockSpec((_RB, 1), lambda i: (i, 0)),
        ],
        out_shape=[
            jax.ShapeDtypeStruct((N, IN_FEATS), jnp.float32),
            jax.ShapeDtypeStruct((N, H_FEATS), jnp.float32),
            jax.ShapeDtypeStruct((N, 1), jnp.float32),
        ],
    )(fn, esum, dsum, w_neigh1)


def _stage_b_body(h_ref, s_ref, deg_ref, ws_ref, b_ref, wn_ref,
                  h1_ref, z2_ref):
    agg = (s_ref[0] + s_ref[1]) / deg_ref[...]
    h1 = jnp.dot(h_ref[...], ws_ref[...],
                 preferred_element_type=jnp.float32) + agg + b_ref[...]
    h1 = jnp.maximum(h1, 0.0)
    h1_ref[...] = h1
    z2_ref[...] = jnp.dot(h1, wn_ref[...], preferred_element_type=jnp.float32)


def _stage_b(h, s1, deg, w_self1, b1, w_neigh2):
    return pl.pallas_call(
        _stage_b_body,
        grid=(_GRID,),
        in_specs=[
            pl.BlockSpec((_RB, IN_FEATS), lambda i: (i, 0)),
            pl.BlockSpec((NC, _RB, H_FEATS), lambda i: (0, i, 0)),
            pl.BlockSpec((_RB, 1), lambda i: (i, 0)),
            pl.BlockSpec((IN_FEATS, H_FEATS), lambda i: (0, 0)),
            pl.BlockSpec((1, H_FEATS), lambda i: (0, 0)),
            pl.BlockSpec((H_FEATS, H_FEATS), lambda i: (0, 0)),
        ],
        out_specs=[
            pl.BlockSpec((_RB, H_FEATS), lambda i: (i, 0)),
            pl.BlockSpec((_RB, H_FEATS), lambda i: (i, 0)),
        ],
        out_shape=[
            jax.ShapeDtypeStruct((N, H_FEATS), jnp.float32),
            jax.ShapeDtypeStruct((N, H_FEATS), jnp.float32),
        ],
    )(h, s1, deg, w_self1, b1, w_neigh2)


def _stage_c_body(h1_ref, s_ref, deg_ref, ws_ref, b_ref, out_ref):
    agg = (s_ref[0] + s_ref[1]) / deg_ref[...]
    out_ref[...] = (jnp.dot(h1_ref[...], ws_ref[...],
                            preferred_element_type=jnp.float32)
                    + agg + b_ref[...])


def _stage_c(h1, s2, deg, w_self2, b2):
    return pl.pallas_call(
        _stage_c_body,
        grid=(_GRID,),
        in_specs=[
            pl.BlockSpec((_RB, H_FEATS), lambda i: (i, 0)),
            pl.BlockSpec((NC, _RB, H_FEATS), lambda i: (0, i, 0)),
            pl.BlockSpec((_RB, 1), lambda i: (i, 0)),
            pl.BlockSpec((H_FEATS, H_FEATS), lambda i: (0, 0)),
            pl.BlockSpec((1, H_FEATS), lambda i: (0, 0)),
        ],
        out_specs=pl.BlockSpec((_RB, H_FEATS), lambda i: (i, 0)),
        out_shape=jax.ShapeDtypeStruct((N, H_FEATS), jnp.float32),
    )(h1, s2, deg, w_self2, b2)


def kernel(feature_nodes, feature_edges, edge_index, W_self1, W_neigh1, b1,
           W_self2, W_neigh2, b2):
    src = edge_index[0]
    dst = edge_index[1]
    b1r = b1.reshape(1, H_FEATS)
    b2r = b2.reshape(1, H_FEATS)

    esum, dsum = _sc_edge_mean(feature_edges, dst)
    h, z1, deg = _stage_a(feature_nodes, esum, dsum, W_neigh1)
    s1 = _sc_agg(z1, src, dst)
    h1, z2 = _stage_b(h, s1, deg, W_self1, b1r, W_neigh2)
    s2 = _sc_agg(z2, src, dst)
    return _stage_c(h1, s2, deg, W_self2, b2r)

# --- scband reference (transcript-rebuilt; emitter-appended) ---
"""Pipeline reference for scband-graph-sage-10806137716865 (READ-ONLY COPY).

The authoritative reference and input builder live on the scoring server;
editing this copy changes nothing except your own understanding.
"""

import jax, jax.numpy as jnp
import numpy as np

N = 10000
E = 320000
D_FEAT = 128
D_EDGE = 16
IN_FEATS = D_FEAT + D_EDGE  # 144
H_FEATS = 128


def setup_inputs(seed: int = 0) -> dict:
    key = jax.random.key(seed)
    ks = jax.random.split(key, 10)
    feature_nodes = jax.random.normal(ks[0], (N, D_FEAT), dtype=jnp.float32)
    feature_edges = jax.random.normal(ks[1], (E, D_EDGE), dtype=jnp.float32)
    edge_index = jax.random.randint(ks[2], (2, E), 0, N, dtype=jnp.int32)
    # SAGEConv layer 1 params (in=IN_FEATS, out=H_FEATS)
    s1 = 1.0 / np.sqrt(IN_FEATS)
    W_self1 = jax.random.uniform(ks[3], (IN_FEATS, H_FEATS), dtype=jnp.float32, minval=-s1, maxval=s1)
    W_neigh1 = jax.random.uniform(ks[4], (IN_FEATS, H_FEATS), dtype=jnp.float32, minval=-s1, maxval=s1)
    b1 = jnp.zeros((H_FEATS,), dtype=jnp.float32)
    # SAGEConv layer 2 params (in=H_FEATS, out=H_FEATS)
    s2 = 1.0 / np.sqrt(H_FEATS)
    W_self2 = jax.random.uniform(ks[5], (H_FEATS, H_FEATS), dtype=jnp.float32, minval=-s2, maxval=s2)
    W_neigh2 = jax.random.uniform(ks[6], (H_FEATS, H_FEATS), dtype=jnp.float32, minval=-s2, maxval=s2)
    b2 = jnp.zeros((H_FEATS,), dtype=jnp.float32)
    return {
        "feature_nodes": feature_nodes,
        "feature_edges": feature_edges,
        "edge_index": edge_index,
        "W_self1": W_self1, "W_neigh1": W_neigh1, "b1": b1,
        "W_self2": W_self2, "W_neigh2": W_neigh2, "b2": b2,
    }


def _mean_agg(values, dst, num_nodes):
    # DGL fn.mean semantics: nodes with no in-edges get 0
    summed = jax.ops.segment_sum(values, dst, num_segments=num_nodes)
    deg = jax.ops.segment_sum(jnp.ones((values.shape[0],), dtype=values.dtype), dst, num_segments=num_nodes)
    return summed / jnp.clip(deg, 1.0, None)[:, None]


def _sage_conv(h, src, dst, num_nodes, W_self, W_neigh, b):
    # DGL SAGEConv aggregator_type='mean': fc_self(h_self) + fc_neigh(mean_neigh(h_src)) + bias
    h_neigh = _mean_agg(h[src], dst, num_nodes)
    return h @ W_self + h_neigh @ W_neigh + b


def reference(feature_nodes, feature_edges, edge_index, W_self1, W_neigh1, b1, W_self2, W_neigh2, b2):
    src = edge_index[0]
    dst = edge_index[1]
    num_nodes = feature_nodes.shape[0]
    # g.update_all(fn.copy_e('e','m_e'), fn.mean('m_e','h_e')): mean of incoming edge feats per dst node
    h_e = _mean_agg(feature_edges, dst, num_nodes)
    h = jnp.concatenate([feature_nodes, h_e], axis=1)
    h = _sage_conv(h, src, dst, num_nodes, W_self1, W_neigh1, b1)
    h = jax.nn.relu(h)
    h = _sage_conv(h, src, dst, num_nodes, W_self2, W_neigh2, b2)
    return h

if __name__ == "__main__":
    import jax
    _d = setup_inputs()
    print(jax.jit(kernel)(*tuple(_d.values())))

</pallas_src>

<mosaic_0001>
#map = affine_map<(d0, d1) -> (0, 0)>
#map1 = affine_map<(d0, d1) -> (0)>
#map2 = affine_map<(d0, d1) -> (0, 0, 0)>
module attributes {stable_mosaic.version = 14 : i64} {
  func.func @_sc_edge_mean(%arg0: i32, %arg1: i32, %arg2: memref<320000x16xf32, #tpu.memory_space<hbm>>, %arg3: memref<320000xi32, #tpu.memory_space<hbm>>, %arg4: memref<2x10000x16xf32, #tpu.memory_space<hbm>>, %arg5: memref<2x10000x16xf32, #tpu.memory_space<hbm>>, %arg6: memref<80xi32, #tpu.memory_space<vmem>>, %arg7: memref<80x16xf32, #tpu.memory_space<vmem>>, %arg8: memref<80x16xf32, #tpu.memory_space<vmem>>, %arg9: memref<16x16xf32, #tpu.memory_space<vmem>>, %arg10: memref<10000x16xf32, #tpu.memory_space<vmem_shared>>, %arg11: memref<10000x16xf32, #tpu.memory_space<vmem_shared>>) attributes {dimension_semantics = [#tpu.dimension_semantics<core_parallel>, #tpu.dimension_semantics<subcore_parallel>], iteration_bounds = array<i64: 2, 16>, scalar_prefetch = 0 : i64, scratch_operands = 6 : i64, tpu.core_type = #tpu.core_type<sc_vector_subcore>, window_params = [{transform_indices = #map}, {transform_indices = #map1}, {transform_indices = #map2}, {transform_indices = #map2}]} {
    %mul3A = arith.constant 2 : i32
    %mul3A_0 = arith.muli %arg1, %mul3A : i32
    %add3A = arith.addi %mul3A_0, %arg0 : i32
    %mul3A_1 = arith.constant 10000 : i32
    %mul3A_2 = arith.muli %add3A, %mul3A_1 : i32
    %broadcast_in_dim3A = arith.constant 1.000000e+00 : f32
    %broadcast_in_dim3A_3 = vector.broadcast %broadcast_in_dim3A : f32 to vector<16xf32>
    %scan3A = arith.constant 0 : i32
    %scan3A_4 = arith.constant 0 : i32
    %scan3A_5 = arith.constant 80 : i32
    %scan3A_6 = arith.addi %scan3A_4, %scan3A_5 : i32
    %scan3A_7 = arith.constant 1 : i32
    %scan3A_8 = scf.for %scan3A_66 = %scan3A_4 to %scan3A_6 step %scan3A_7 iter_args(%scan3A_67 = %scan3A) -> (i32)  : i32 {
      %swap3A = arith.index_cast %scan3A_66 : i32 to index
      %swap3A_68 = arith.constant 0 : index
      %swap3A_69 = tpu.vector_load %arg8[%swap3A, %swap3A_68] {strides = array<i32>} : memref<80x16xf32, #tpu.memory_space<vmem>>, vector<1x16xf32>,
      %swap3A_70 = vector.shape_cast %swap3A_69 : vector<1x16xf32> to vector<16xf32>
      %swap3A_71 = vector.shape_cast %broadcast_in_dim3A_3 : vector<16xf32> to vector<1x16xf32>
      tpu.vector_store %arg8[%swap3A, %swap3A_68], %swap3A_71 {strides = array<i32>} : memref<80x16xf32, #tpu.memory_space<vmem>>, vector<1x16xf32>,
      %scan3A_72 = arith.constant 0 : i32
      scf.yield %scan3A_72 : i32
    }
    %scan3A_9 = arith.constant 80 : i32
    %broadcast_in_dim3A_10 = arith.constant 0.000000e+00 : f32
    %broadcast_in_dim3A_11 = vector.broadcast %broadcast_in_dim3A_10 : f32 to vector<16xf32>
    %scan3A_12 = arith.constant 0 : i32
    %scan3A_13 = arith.constant 0 : i32
    %scan3A_14 = arith.constant 16 : i32
    %scan3A_15 = arith.addi %scan3A_13, %scan3A_14 : i32
    %scan3A_16 = arith.constant 1 : i32
    %scan3A_17 = scf.for %scan3A_66 = %scan3A_13 to %scan3A_15 step %scan3A_16 iter_args(%scan3A_67 = %scan3A_12) -> (i32)  : i32 {
      %swap3A = arith.index_cast %scan3A_66 : i32 to index
      %swap3A_68 = arith.constant 0 : index
      %swap3A_69 = tpu.vector_load %arg9[%swap3A, %swap3A_68] {strides = array<i32>} : memref<16x16xf32, #tpu.memory_space<vmem>>, vector<1x16xf32>,
      %swap3A_70 = vector.shape_cast %swap3A_69 : vector<1x16xf32> to vector<16xf32>
      %swap3A_71 = vector.shape_cast %broadcast_in_dim3A_11 : vector<16xf32> to vector<1x16xf32>
      tpu.vector_store %arg9[%swap3A, %swap3A_68], %swap3A_71 {strides = array<i32>} : memref<16x16xf32, #tpu.memory_space<vmem>>, vector<1x16xf32>,
      %scan3A_72 = arith.constant 0 : i32
      scf.yield %scan3A_72 : i32
    }
    %scan3A_18 = arith.constant 16 : i32
    %mul3A_19 = arith.constant 624 : i32
    %mul3A_20 = arith.muli %arg1, %mul3A_19 : i32
    %scan3A_21 = arith.constant 0 : i32
    %scan3A_22 = arith.constant 0 : i32
    %scan3A_23 = arith.constant 39 : i32
    %scan3A_24 = arith.addi %scan3A_22, %scan3A_23 : i32
    %scan3A_25 = arith.constant 1 : i32
    %scan3A_26 = scf.for %scan3A_66 = %scan3A_22 to %scan3A_24 step %scan3A_25 iter_args(%scan3A_67 = %scan3A_21) -> (i32)  : i32 {
      %mul3A_68 = arith.constant 16 : i32
      %mul3A_69 = arith.muli %scan3A_66, %mul3A_68 : i32
      %add3A_70 = arith.addi %mul3A_20, %mul3A_69 : i32
      "tpu.region"() ({
        %run_scoped3A = tpu.sem_alloc : memref<!tpu.dma_semaphore, #tpu.memory_space<semaphore_mem>>
        %dma_start3A = arith.constant 0 : i32
        %dma_start3A_72 = tpu.memref_slice %arg10[%add3A_70, %dma_start3A] : memref<10000x16xf32, #tpu.memory_space<vmem_shared>> -> memref<16x16xf32, #tpu.memory_space<vmem_shared>>
        %dma_start3A_73 = arith.constant 0 : i32
        %dma_start3A_74 = tpu.memref_slice %arg10[%add3A_70, %dma_start3A_73] : memref<10000x16xf32, #tpu.memory_space<vmem_shared>> -> memref<16x16xf32, #tpu.memory_space<vmem_shared>>
        tpu.enqueue_dma source(%arg9 : memref<16x16xf32, #tpu.memory_space<vmem>>) target(%dma_start3A_74 : memref<16x16xf32, #tpu.memory_space<vmem_shared>>) target_semaphore(%run_scoped3A : memref<!tpu.dma_semaphore, #tpu.memory_space<semaphore_mem>>)
        %dma_wait3A = arith.constant 0 : i32
        %dma_wait3A_75 = tpu.memref_slice %arg10[%add3A_70, %dma_wait3A] : memref<10000x16xf32, #tpu.memory_space<vmem_shared>> -> memref<16x16xf32, #tpu.memory_space<vmem_shared>>
        %dma_wait3A_76 = arith.constant 0 : i32
        %dma_wait3A_77 = tpu.memref_slice %arg10[%add3A_70, %dma_wait3A_76] : memref<10000x16xf32, #tpu.memory_space<vmem_shared>> -> memref<16x16xf32, #tpu.memory_space<vmem_shared>>
        tpu.wait_dma2 semaphore(%run_scoped3A : memref<!tpu.dma_semaphore, #tpu.memory_space<semaphore_mem>>) src(%arg9 : memref<16x16xf32, #tpu.memory_space<vmem>>) dst(%dma_wait3A_77 : memref<16x16xf32, #tpu.memory_space<vmem_shared>>)
        tpu.yield
      }) : () -> ()
      %scan3A_71 = arith.constant 0 : i32
      scf.yield %scan3A_71 : i32
    }
    %scan3A_27 = arith.constant 39 : i32
    %eq3A = arith.constant 0 : i32
    %eq3A_28 = arith.cmpi eq, %arg1, %eq3A : i32
    %convert_element_type3A = arith.extui %eq3A_28 : i1 to i32
    %cond3A = arith.constant 0 : i32
    %cond3A_29 = arith.cmpi ne, %convert_element_type3A, %cond3A : i32
    scf.if %cond3A_29 {
      "tpu.region"() ({
        %run_scoped3A = tpu.sem_alloc : memref<!tpu.dma_semaphore, #tpu.memory_space<semaphore_mem>>
        %dma_start3A = arith.constant 9984 : i32
        %dma_start3A_66 = arith.constant 0 : i32
        %dma_start3A_67 = tpu.memref_slice %arg10[%dma_start3A, %dma_start3A_66] : memref<10000x16xf32, #tpu.memory_space<vmem_shared>> -> memref<16x16xf32, #tpu.memory_space<vmem_shared>>
        %dma_start3A_68 = arith.constant 9984 : i32
        %dma_start3A_69 = arith.constant 0 : i32
        %dma_start3A_70 = tpu.memref_slice %arg10[%dma_start3A_68, %dma_start3A_69] : memref<10000x16xf32, #tpu.memory_space<vmem_shared>> -> memref<16x16xf32, #tpu.memory_space<vmem_shared>>
        tpu.enqueue_dma source(%arg9 : memref<16x16xf32, #tpu.memory_space<vmem>>) target(%dma_start3A_70 : memref<16x16xf32, #tpu.memory_space<vmem_shared>>) target_semaphore(%run_scoped3A : memref<!tpu.dma_semaphore, #tpu.memory_space<semaphore_mem>>)
        %dma_wait3A = arith.constant 9984 : i32
        %dma_wait3A_71 = arith.constant 0 : i32
        %dma_wait3A_72 = tpu.memref_slice %arg10[%dma_wait3A, %dma_wait3A_71] : memref<10000x16xf32, #tpu.memory_space<vmem_shared>> -> memref<16x16xf32, #tpu.memory_space<vmem_shared>>
        %dma_wait3A_73 = arith.constant 9984 : i32
        %dma_wait3A_74 = arith.constant 0 : i32
        %dma_wait3A_75 = tpu.memref_slice %arg10[%dma_wait3A_73, %dma_wait3A_74] : memref<10000x16xf32, #tpu.memory_space<vmem_shared>> -> memref<16x16xf32, #tpu.memory_space<vmem_shared>>
        tpu.wait_dma2 semaphore(%run_scoped3A : memref<!tpu.dma_semaphore, #tpu.memory_space<semaphore_mem>>) src(%arg9 : memref<16x16xf32, #tpu.memory_space<vmem>>) dst(%dma_wait3A_75 : memref<16x16xf32, #tpu.memory_space<vmem_shared>>)
        tpu.yield
      }) : () -> ()
    } else {
    }
    %mul3A_30 = arith.constant 624 : i32
    %mul3A_31 = arith.muli %arg1, %mul3A_30 : i32
    %scan3A_32 = arith.constant 0 : i32
    %scan3A_33 = arith.constant 0 : i32
    %scan3A_34 = arith.constant 39 : i32
    %scan3A_35 = arith.addi %scan3A_33, %scan3A_34 : i32
    %scan3A_36 = arith.constant 1 : i32
    %scan3A_37 = scf.for %scan3A_66 = %scan3A_33 to %scan3A_35 step %scan3A_36 iter_args(%scan3A_67 = %scan3A_32) -> (i32)  : i32 {
      %mul3A_68 = arith.constant 16 : i32
      %mul3A_69 = arith.muli %scan3A_66, %mul3A_68 : i32
      %add3A_70 = arith.addi %mul3A_31, %mul3A_69 : i32
      "tpu.region"() ({
        %run_scoped3A = tpu.sem_alloc : memref<!tpu.dma_semaphore, #tpu.memory_space<semaphore_mem>>
        %dma_start3A = arith.constant 0 : i32
        %dma_start3A_72 = tpu.memref_slice %arg11[%add3A_70, %dma_start3A] : memref<10000x16xf32, #tpu.memory_space<vmem_shared>> -> memref<16x16xf32, #tpu.memory_space<vmem_shared>>
        %dma_start3A_73 = arith.constant 0 : i32
        %dma_start3A_74 = tpu.memref_slice %arg11[%add3A_70, %dma_start3A_73] : memref<10000x16xf32, #tpu.memory_space<vmem_shared>> -> memref<16x16xf32, #tpu.memory_space<vmem_shared>>
        tpu.enqueue_dma source(%arg9 : memref<16x16xf32, #tpu.memory_space<vmem>>) target(%dma_start3A_74 : memref<16x16xf32, #tpu.memory_space<vmem_shared>>) target_semaphore(%run_scoped3A : memref<!tpu.dma_semaphore, #tpu.memory_space<semaphore_mem>>)
        %dma_wait3A = arith.constant 0 : i32
        %dma_wait3A_75 = tpu.memref_slice %arg11[%add3A_70, %dma_wait3A] : memref<10000x16xf32, #tpu.memory_space<vmem_shared>> -> memref<16x16xf32, #tpu.memory_space<vmem_shared>>
        %dma_wait3A_76 = arith.constant 0 : i32
        %dma_wait3A_77 = tpu.memref_slice %arg11[%add3A_70, %dma_wait3A_76] : memref<10000x16xf32, #tpu.memory_space<vmem_shared>> -> memref<16x16xf32, #tpu.memory_space<vmem_shared>>
        tpu.wait_dma2 semaphore(%run_scoped3A : memref<!tpu.dma_semaphore, #tpu.memory_space<semaphore_mem>>) src(%arg9 : memref<16x16xf32, #tpu.memory_space<vmem>>) dst(%dma_wait3A_77 : memref<16x16xf32, #tpu.memory_space<vmem_shared>>)
        tpu.yield
      }) : () -> ()
      %scan3A_71 = arith.constant 0 : i32
      scf.yield %scan3A_71 : i32
    }
    %scan3A_38 = arith.constant 39 : i32
    %eq3A_39 = arith.constant 0 : i32
    %eq3A_40 = arith.cmpi eq, %arg1, %eq3A_39 : i32
    %convert_element_type3A_41 = arith.extui %eq3A_40 : i1 to i32
    %cond3A_42 = arith.constant 0 : i32
    %cond3A_43 = arith.cmpi ne, %convert_element_type3A_41, %cond3A_42 : i32
    scf.if %cond3A_43 {
      "tpu.region"() ({
        %run_scoped3A = tpu.sem_alloc : memref<!tpu.dma_semaphore, #tpu.memory_space<semaphore_mem>>
        %dma_start3A = arith.constant 9984 : i32
        %dma_start3A_66 = arith.constant 0 : i32
        %dma_start3A_67 = tpu.memref_slice %arg11[%dma_start3A, %dma_start3A_66] : memref<10000x16xf32, #tpu.memory_space<vmem_shared>> -> memref<16x16xf32, #tpu.memory_space<vmem_shared>>
        %dma_start3A_68 = arith.constant 9984 : i32
        %dma_start3A_69 = arith.constant 0 : i32
        %dma_start3A_70 = tpu.memref_slice %arg11[%dma_start3A_68, %dma_start3A_69] : memref<10000x16xf32, #tpu.memory_space<vmem_shared>> -> memref<16x16xf32, #tpu.memory_space<vmem_shared>>
        tpu.enqueue_dma source(%arg9 : memref<16x16xf32, #tpu.memory_space<vmem>>) target(%dma_start3A_70 : memref<16x16xf32, #tpu.memory_space<vmem_shared>>) target_semaphore(%run_scoped3A : memref<!tpu.dma_semaphore, #tpu.memory_space<semaphore_mem>>)
        %dma_wait3A = arith.constant 9984 : i32
        %dma_wait3A_71 = arith.constant 0 : i32
        %dma_wait3A_72 = tpu.memref_slice %arg11[%dma_wait3A, %dma_wait3A_71] : memref<10000x16xf32, #tpu.memory_space<vmem_shared>> -> memref<16x16xf32, #tpu.memory_space<vmem_shared>>
        %dma_wait3A_73 = arith.constant 9984 : i32
        %dma_wait3A_74 = arith.constant 0 : i32
        %dma_wait3A_75 = tpu.memref_slice %arg11[%dma_wait3A_73, %dma_wait3A_74] : memref<10000x16xf32, #tpu.memory_space<vmem_shared>> -> memref<16x16xf32, #tpu.memory_space<vmem_shared>>
        tpu.wait_dma2 semaphore(%run_scoped3A : memref<!tpu.dma_semaphore, #tpu.memory_space<semaphore_mem>>) src(%arg9 : memref<16x16xf32, #tpu.memory_space<vmem>>) dst(%dma_wait3A_75 : memref<16x16xf32, #tpu.memory_space<vmem_shared>>)
        tpu.yield
      }) : () -> ()
    } else {
    }
    %barrier3A = arith.constant 0 : index
    tpu.barrier barrier_id(%barrier3A)
    %scan3A_44 = arith.constant 0 : i32
    %scan3A_45 = arith.constant 0 : i32
    %scan3A_46 = arith.constant 125 : i32
    %scan3A_47 = arith.addi %scan3A_45, %scan3A_46 : i32
    %scan3A_48 = arith.constant 1 : i32
    %scan3A_49 = scf.for %scan3A_66 = %scan3A_45 to %scan3A_47 step %scan3A_48 iter_args(%scan3A_67 = %scan3A_44) -> (i32)  : i32 {
      %mul3A_68 = arith.constant 80 : i32
      %mul3A_69 = arith.muli %scan3A_66, %mul3A_68 : i32
      %add3A_70 = arith.addi %mul3A_2, %mul3A_69 : i32
      "tpu.region"() ({
        %run_scoped3A = tpu.sem_alloc : memref<!tpu.dma_semaphore, #tpu.memory_space<semaphore_mem>>
        %dma_start3A = tpu.memref_slice %arg3[%add3A_70] : memref<320000xi32, #tpu.memory_space<hbm>> -> memref<80xi32, #tpu.memory_space<hbm>>
        %dma_start3A_72 = tpu.memref_slice %arg3[%add3A_70] : memref<320000xi32, #tpu.memory_space<hbm>> -> memref<80xi32, #tpu.memory_space<hbm>>
        tpu.enqueue_dma source(%dma_start3A_72 : memref<80xi32, #tpu.memory_space<hbm>>) target(%arg6 : memref<80xi32, #tpu.memory_space<vmem>>) target_semaphore(%run_scoped3A : memref<!tpu.dma_semaphore, #tpu.memory_space<semaphore_mem>>)
        %dma_wait3A = tpu.memref_slice %arg3[%add3A_70] : memref<320000xi32, #tpu.memory_space<hbm>> -> memref<80xi32, #tpu.memory_space<hbm>>
        %dma_wait3A_73 = tpu.memref_slice %arg3[%add3A_70] : memref<320000xi32, #tpu.memory_space<hbm>> -> memref<80xi32, #tpu.memory_space<hbm>>
        tpu.wait_dma2 semaphore(%run_scoped3A : memref<!tpu.dma_semaphore, #tpu.memory_space<semaphore_mem>>) src(%dma_wait3A_73 : memref<80xi32, #tpu.memory_space<hbm>>) dst(%arg6 : memref<80xi32, #tpu.memory_space<vmem>>)
        tpu.yield
      }) : () -> ()
      "tpu.region"() ({
        %run_scoped3A = tpu.sem_alloc : memref<!tpu.dma_semaphore, #tpu.memory_space<semaphore_mem>>
        %dma_start3A = arith.constant 0 : i32
        %dma_start3A_72 = tpu.memref_slice %arg2[%add3A_70, %dma_start3A] : memref<320000x16xf32, #tpu.memory_space<hbm>> -> memref<80x16xf32, #tpu.memory_space<hbm>>
        %dma_start3A_73 = arith.constant 0 : i32
        %dma_start3A_74 = tpu.memref_slice %arg2[%add3A_70, %dma_start3A_73] : memref<320000x16xf32, #tpu.memory_space<hbm>> -> memref<80x16xf32, #tpu.memory_space<hbm>>
        tpu.enqueue_dma source(%dma_start3A_74 : memref<80x16xf32, #tpu.memory_space<hbm>>) target(%arg7 : memref<80x16xf32, #tpu.memory_space<vmem>>) target_semaphore(%run_scoped3A : memref<!tpu.dma_semaphore, #tpu.memory_space<semaphore_mem>>)
        %dma_wait3A = arith.constant 0 : i32
        %dma_wait3A_75 = tpu.memref_slice %arg2[%add3A_70, %dma_wait3A] : memref<320000x16xf32, #tpu.memory_space<hbm>> -> memref<80x16xf32, #tpu.memory_space<hbm>>
        %dma_wait3A_76 = arith.constant 0 : i32
        %dma_wait3A_77 = tpu.memref_slice %arg2[%add3A_70, %dma_wait3A_76] : memref<320000x16xf32, #tpu.memory_space<hbm>> -> memref<80x16xf32, #tpu.memory_space<hbm>>
        tpu.wait_dma2 semaphore(%run_scoped3A : memref<!tpu.dma_semaphore, #tpu.memory_space<semaphore_mem>>) src(%dma_wait3A_77 : memref<80x16xf32, #tpu.memory_space<hbm>>) dst(%arg7 : memref<80x16xf32, #tpu.memory_space<vmem>>)
        tpu.yield
      }) : () -> ()
      "tpu.region"() ({
        %run_scoped3A = tpu.sem_alloc : memref<!tpu.dma_semaphore, #tpu.memory_space<semaphore_mem>>
        %dma_start3A = arith.constant 0 : i32
        %dma_start3A_72 = arith.constant 0 : i32
        %dma_start3A_73 = tpu.memref_slice %arg10[%dma_start3A, %dma_start3A_72] : memref<10000x16xf32, #tpu.memory_space<vmem_shared>> -> memref<10000x16xf32, #tpu.memory_space<vmem_shared>>
        tpu.enqueue_indirect_dma source(%arg7 : memref<80x16xf32, #tpu.memory_space<vmem>>) target(%dma_start3A_73 : memref<10000x16xf32, #tpu.memory_space<vmem_shared>>) offsets(%arg6 : memref<80xi32, #tpu.memory_space<vmem>>) semaphore(%run_scoped3A : memref<!tpu.dma_semaphore, #tpu.memory_space<semaphore_mem>>) {add = true}
        %dma_wait3A = arith.constant 0 : i32
        %dma_wait3A_74 = arith.constant 0 : i32
        %dma_wait3A_75 = tpu.memref_slice %arg10[%dma_wait3A, %dma_wait3A_74] : memref<10000x16xf32, #tpu.memory_space<vmem_shared>> -> memref<10000x16xf32, #tpu.memory_space<vmem_shared>>
        tpu.wait_indirect_dma semaphore(%run_scoped3A : memref<!tpu.dma_semaphore, #tpu.memory_space<semaphore_mem>>) src(%arg7 : memref<80x16xf32, #tpu.memory_space<vmem>>) dst(%dma_wait3A_75 : memref<10000x16xf32, #tpu.memory_space<vmem_shared>>)
        tpu.yield
      }) : () -> ()
      "tpu.region"() ({
        %run_scoped3A = tpu.sem_alloc : memref<!tpu.dma_semaphore, #tpu.memory_space<semaphore_mem>>
        %dma_start3A = arith.constant 0 : i32
        %dma_start3A_72 = arith.constant 0 : i32
        %dma_start3A_73 = tpu.memref_slice %arg11[%dma_start3A, %dma_start3A_72] : memref<10000x16xf32, #tpu.memory_space<vmem_shared>> -> memref<10000x16xf32, #tpu.memory_space<vmem_shared>>
        tpu.enqueue_indirect_dma source(%arg8 : memref<80x16xf32, #tpu.memory_space<vmem>>) target(%dma_start3A_73 : memref<10000x16xf32, #tpu.memory_space<vmem_shared>>) offsets(%arg6 : memref<80xi32, #tpu.memory_space<vmem>>) semaphore(%run_scoped3A : memref<!tpu.dma_semaphore, #tpu.memory_space<semaphore_mem>>) {add = true}
        %dma_wait3A = arith.constant 0 : i32
        %dma_wait3A_74 = arith.constant 0 : i32
        %dma_wait3A_75 = tpu.memref_slice %arg11[%dma_wait3A, %dma_wait3A_74] : memref<10000x16xf32, #tpu.memory_space<vmem_shared>> -> memref<10000x16xf32, #tpu.memory_space<vmem_shared>>
        tpu.wait_indirect_dma semaphore(%run_scoped3A : memref<!tpu.dma_semaphore, #tpu.memory_space<semaphore_mem>>) src(%arg8 : memref<80x16xf32, #tpu.memory_space<vmem>>) dst(%dma_wait3A_75 : memref<10000x16xf32, #tpu.memory_space<vmem_shared>>)
        tpu.yield
      }) : () -> ()
      %scan3A_71 = arith.constant 0 : i32
      scf.yield %scan3A_71 : i32
    }
    %scan3A_50 = arith.constant 125 : i32
    %barrier3A_51 = arith.constant 0 : index
    tpu.barrier barrier_id(%barrier3A_51)
    %mul3A_52 = arith.constant 624 : i32
    %mul3A_53 = arith.muli %arg1, %mul3A_52 : i32
    "tpu.region"() ({
      %run_scoped3A = tpu.sem_alloc : memref<!tpu.dma_semaphore, #tpu.memory_space<semaphore_mem>>
      %dma_start3A = arith.constant 0 : i32
      %dma_start3A_66 = tpu.memref_slice %arg4[%arg0, %mul3A_53, %dma_start3A] : memref<2x10000x16xf32, #tpu.memory_space<hbm>> -> memref<1x624x16xf32, #tpu.memory_space<hbm>>
      %dma_start3A_67 = tpu.memref_squeeze %dma_start3A_66 : memref<1x624x16xf32, #tpu.memory_space<hbm>> -> memref<624x16xf32, #tpu.memory_space<hbm>>
      %dma_start3A_68 = arith.constant 0 : i32
      %dma_start3A_69 = tpu.memref_slice %arg10[%mul3A_53, %dma_start3A_68] : memref<10000x16xf32, #tpu.memory_space<vmem_shared>> -> memref<624x16xf32, #tpu.memory_space<vmem_shared>>
      tpu.enqueue_dma source(%dma_start3A_69 : memref<624x16xf32, #tpu.memory_space<vmem_shared>>) target(%dma_start3A_67 : memref<624x16xf32, #tpu.memory_space<hbm>>) target_semaphore(%run_scoped3A : memref<!tpu.dma_semaphore, #tpu.memory_space<semaphore_mem>>)
      %dma_wait3A = arith.constant 0 : i32
      %dma_wait3A_70 = tpu.memref_slice %arg4[%arg0, %mul3A_53, %dma_wait3A] : memref<2x10000x16xf32, #tpu.memory_space<hbm>> -> memref<1x624x16xf32, #tpu.memory_space<hbm>>
      %dma_wait3A_71 = tpu.memref_squeeze %dma_wait3A_70 : memref<1x624x16xf32, #tpu.memory_space<hbm>> -> memref<624x16xf32, #tpu.memory_space<hbm>>
      %dma_wait3A_72 = arith.constant 0 : i32
      %dma_wait3A_73 = tpu.memref_slice %arg10[%mul3A_53, %dma_wait3A_72] : memref<10000x16xf32, #tpu.memory_space<vmem_shared>> -> memref<624x16xf32, #tpu.memory_space<vmem_shared>>
      tpu.wait_dma2 semaphore(%run_scoped3A : memref<!tpu.dma_semaphore, #tpu.memory_space<semaphore_mem>>) src(%dma_wait3A_73 : memref<624x16xf32, #tpu.memory_space<vmem_shared>>) dst(%dma_wait3A_71 : memref<624x16xf32, #tpu.memory_space<hbm>>)
      tpu.yield
    }) : () -> ()
    %eq3A_54 = arith.constant 0 : i32
    %eq3A_55 = arith.cmpi eq, %arg1, %eq3A_54 : i32
    %convert_element_type3A_56 = arith.extui %eq3A_55 : i1 to i32
    %cond3A_57 = arith.constant 0 : i32
    %cond3A_58 = arith.cmpi ne, %convert_element_type3A_56, %cond3A_57 : i32
    scf.if %cond3A_58 {
      "tpu.region"() ({
        %run_scoped3A = tpu.sem_alloc : memref<!tpu.dma_semaphore, #tpu.memory_space<semaphore_mem>>
        %dma_start3A = arith.constant 9984 : i32
        %dma_start3A_66 = arith.constant 0 : i32
        %dma_start3A_67 = tpu.memref_slice %arg4[%arg0, %dma_start3A, %dma_start3A_66] : memref<2x10000x16xf32, #tpu.memory_space<hbm>> -> memref<1x16x16xf32, #tpu.memory_space<hbm>>
        %dma_start3A_68 = tpu.memref_squeeze %dma_start3A_67 : memref<1x16x16xf32, #tpu.memory_space<hbm>> -> memref<16x16xf32, #tpu.memory_space<hbm>>
        %dma_start3A_69 = arith.constant 9984 : i32
        %dma_start3A_70 = arith.constant 0 : i32
        %dma_start3A_71 = tpu.memref_slice %arg10[%dma_start3A_69, %dma_start3A_70] : memref<10000x16xf32, #tpu.memory_space<vmem_shared>> -> memref<16x16xf32, #tpu.memory_space<vmem_shared>>
        tpu.enqueue_dma source(%dma_start3A_71 : memref<16x16xf32, #tpu.memory_space<vmem_shared>>) target(%dma_start3A_68 : memref<16x16xf32, #tpu.memory_space<hbm>>) target_semaphore(%run_scoped3A : memref<!tpu.dma_semaphore, #tpu.memory_space<semaphore_mem>>)
        %dma_wait3A = arith.constant 9984 : i32
        %dma_wait3A_72 = arith.constant 0 : i32
        %dma_wait3A_73 = tpu.memref_slice %arg4[%arg0, %dma_wait3A, %dma_wait3A_72] : memref<2x10000x16xf32, #tpu.memory_space<hbm>> -> memref<1x16x16xf32, #tpu.memory_space<hbm>>
        %dma_wait3A_74 = tpu.memref_squeeze %dma_wait3A_73 : memref<1x16x16xf32, #tpu.memory_space<hbm>> -> memref<16x16xf32, #tpu.memory_space<hbm>>
        %dma_wait3A_75 = arith.constant 9984 : i32
        %dma_wait3A_76 = arith.constant 0 : i32
        %dma_wait3A_77 = tpu.memref_slice %arg10[%dma_wait3A_75, %dma_wait3A_76] : memref<10000x16xf32, #tpu.memory_space<vmem_shared>> -> memref<16x16xf32, #tpu.memory_space<vmem_shared>>
        tpu.wait_dma2 semaphore(%run_scoped3A : memref<!tpu.dma_semaphore, #tpu.memory_space<semaphore_mem>>) src(%dma_wait3A_77 : memref<16x16xf32, #tpu.memory_space<vmem_shared>>) dst(%dma_wait3A_74 : memref<16x16xf32, #tpu.memory_space<hbm>>)
        tpu.yield
      }) : () -> ()
    } else {
    }
    %mul3A_59 = arith.constant 624 : i32
    %mul3A_60 = arith.muli %arg1, %mul3A_59 : i32
    "tpu.region"() ({
      %run_scoped3A = tpu.sem_alloc : memref<!tpu.dma_semaphore, #tpu.memory_space<semaphore_mem>>
      %dma_start3A = arith.constant 0 : i32
      %dma_start3A_66 = tpu.memref_slice %arg5[%arg0, %mul3A_60, %dma_start3A] : memref<2x10000x16xf32, #tpu.memory_space<hbm>> -> memref<1x624x16xf32, #tpu.memory_space<hbm>>
      %dma_start3A_67 = tpu.memref_squeeze %dma_start3A_66 : memref<1x624x16xf32, #tpu.memory_space<hbm>> -> memref<624x16xf32, #tpu.memory_space<hbm>>
      %dma_start3A_68 = arith.constant 0 : i32
      %dma_start3A_69 = tpu.memref_slice %arg11[%mul3A_60, %dma_start3A_68] : memref<10000x16xf32, #tpu.memory_space<vmem_shared>> -> memref<624x16xf32, #tpu.memory_space<vmem_shared>>
      tpu.enqueue_dma source(%dma_start3A_69 : memref<624x16xf32, #tpu.memory_space<vmem_shared>>) target(%dma_start3A_67 : memref<624x16xf32, #tpu.memory_space<hbm>>) target_semaphore(%run_scoped3A : memref<!tpu.dma_semaphore, #tpu.memory_space<semaphore_mem>>)
      %dma_wait3A = arith.constant 0 : i32
      %dma_wait3A_70 = tpu.memref_slice %arg5[%arg0, %mul3A_60, %dma_wait3A] : memref<2x10000x16xf32, #tpu.memory_space<hbm>> -> memref<1x624x16xf32, #tpu.memory_space<hbm>>
      %dma_wait3A_71 = tpu.memref_squeeze %dma_wait3A_70 : memref<1x624x16xf32, #tpu.memory_space<hbm>> -> memref<624x16xf32, #tpu.memory_space<hbm>>
      %dma_wait3A_72 = arith.constant 0 : i32
      %dma_wait3A_73 = tpu.memref_slice %arg11[%mul3A_60, %dma_wait3A_72] : memref<10000x16xf32, #tpu.memory_space<vmem_shared>> -> memref<624x16xf32, #tpu.memory_space<vmem_shared>>
      tpu.wait_dma2 semaphore(%run_scoped3A : memref<!tpu.dma_semaphore, #tpu.memory_space<semaphore_mem>>) src(%dma_wait3A_73 : memref<624x16xf32, #tpu.memory_space<vmem_shared>>) dst(%dma_wait3A_71 : memref<624x16xf32, #tpu.memory_space<hbm>>)
      tpu.yield
    }) : () -> ()
    %eq3A_61 = arith.constant 0 : i32
    %eq3A_62 = arith.cmpi eq, %arg1, %eq3A_61 : i32
    %convert_element_type3A_63 = arith.extui %eq3A_62 : i1 to i32
    %cond3A_64 = arith.constant 0 : i32
    %cond3A_65 = arith.cmpi ne, %convert_element_type3A_63, %cond3A_64 : i32
    scf.if %cond3A_65 {
      "tpu.region"() ({
        %run_scoped3A = tpu.sem_alloc : memref<!tpu.dma_semaphore, #tpu.memory_space<semaphore_mem>>
        %dma_start3A = arith.constant 9984 : i32
        %dma_start3A_66 = arith.constant 0 : i32
        %dma_start3A_67 = tpu.memref_slice %arg5[%arg0, %dma_start3A, %dma_start3A_66] : memref<2x10000x16xf32, #tpu.memory_space<hbm>> -> memref<1x16x16xf32, #tpu.memory_space<hbm>>
        %dma_start3A_68 = tpu.memref_squeeze %dma_start3A_67 : memref<1x16x16xf32, #tpu.memory_space<hbm>> -> memref<16x16xf32, #tpu.memory_space<hbm>>
        %dma_start3A_69 = arith.constant 9984 : i32
        %dma_start3A_70 = arith.constant 0 : i32
        %dma_start3A_71 = tpu.memref_slice %arg11[%dma_start3A_69, %dma_start3A_70] : memref<10000x16xf32, #tpu.memory_space<vmem_shared>> -> memref<16x16xf32, #tpu.memory_space<vmem_shared>>
        tpu.enqueue_dma source(%dma_start3A_71 : memref<16x16xf32, #tpu.memory_space<vmem_shared>>) target(%dma_start3A_68 : memref<16x16xf32, #tpu.memory_space<hbm>>) target_semaphore(%run_scoped3A : memref<!tpu.dma_semaphore, #tpu.memory_space<semaphore_mem>>)
        %dma_wait3A = arith.constant 9984 : i32
        %dma_wait3A_72 = arith.constant 0 : i32
        %dma_wait3A_73 = tpu.memref_slice %arg5[%arg0, %dma_wait3A, %dma_wait3A_72] : memref<2x10000x16xf32, #tpu.memory_space<hbm>> -> memref<1x16x16xf32, #tpu.memory_space<hbm>>
        %dma_wait3A_74 = tpu.memref_squeeze %dma_wait3A_73 : memref<1x16x16xf32, #tpu.memory_space<hbm>> -> memref<16x16xf32, #tpu.memory_space<hbm>>
        %dma_wait3A_75 = arith.constant 9984 : i32
        %dma_wait3A_76 = arith.constant 0 : i32
        %dma_wait3A_77 = tpu.memref_slice %arg11[%dma_wait3A_75, %dma_wait3A_76] : memref<10000x16xf32, #tpu.memory_space<vmem_shared>> -> memref<16x16xf32, #tpu.memory_space<vmem_shared>>
        tpu.wait_dma2 semaphore(%run_scoped3A : memref<!tpu.dma_semaphore, #tpu.memory_space<semaphore_mem>>) src(%dma_wait3A_77 : memref<16x16xf32, #tpu.memory_space<vmem_shared>>) dst(%dma_wait3A_74 : memref<16x16xf32, #tpu.memory_space<hbm>>)
        tpu.yield
      }) : () -> ()
    } else {
    }
    return
  }
}

#map = affine_map<(d0, d1) -> (0, 0)>
#map1 = affine_map<(d0, d1) -> (0)>
#map2 = affine_map<(d0, d1) -> (0, 0, 0)>
module attributes {stable_mosaic.version = 14 : i64} {
  func.func @_sc_agg(%arg0: i32, %arg1: i32, %arg2: memref<10000x128xf32, #tpu.memory_space<hbm>>, %arg3: memref<320000xi32, #tpu.memory_space<hbm>>, %arg4: memref<320000xi32, #tpu.memory_space<hbm>>, %arg5: memref<2x10000x128xf32, #tpu.memory_space<hbm>>, %arg6: memref<80xi32, #tpu.memory_space<vmem>>, %arg7: memref<80xi32, #tpu.memory_space<vmem>>, %arg8: memref<80x128xf32, #tpu.memory_space<vmem>>, %arg9: memref<16x128xf32, #tpu.memory_space<vmem>>, %arg10: memref<10000x128xf32, #tpu.memory_space<vmem_shared>>, %arg11: memref<!tpu.dma_semaphore, #tpu.memory_space<semaphore_mem>>) attributes {dimension_semantics = [#tpu.dimension_semantics<core_parallel>, #tpu.dimension_semantics<subcore_parallel>], iteration_bounds = array<i64: 2, 16>, scalar_prefetch = 0 : i64, scratch_operands = 6 : i64, tpu.core_type = #tpu.core_type<sc_vector_subcore>, window_params = [{transform_indices = #map}, {transform_indices = #map1}, {transform_indices = #map1}, {transform_indices = #map2}]} {
    %mul3A = arith.constant 2 : i32
    %mul3A_0 = arith.muli %arg1, %mul3A : i32
    %add3A = arith.addi %mul3A_0, %arg0 : i32
    %mul3A_1 = arith.constant 10000 : i32
    %mul3A_2 = arith.muli %add3A, %mul3A_1 : i32
    %broadcast_in_dim3A = arith.constant 0.000000e+00 : f32
    %broadcast_in_dim3A_3 = vector.broadcast %broadcast_in_dim3A : f32 to vector<16xf32>
    %scan3A = arith.constant 0 : i32
    %scan3A_4 = arith.constant 0 : i32
    %scan3A_5 = arith.constant 16 : i32
    %scan3A_6 = arith.addi %scan3A_4, %scan3A_5 : i32
    %scan3A_7 = arith.constant 1 : i32
    %scan3A_8 = scf.for %scan3A_36 = %scan3A_4 to %scan3A_6 step %scan3A_7 iter_args(%scan3A_37 = %scan3A) -> (i32)  : i32 {
      %swap3A = arith.index_cast %scan3A_36 : i32 to index
      %swap3A_38 = arith.constant 0 : index
      %swap3A_39 = tpu.vector_load %arg9[%swap3A, %swap3A_38] {strides = array<i32>} : memref<16x128xf32, #tpu.memory_space<vmem>>, vector<1x16xf32>,
      %swap3A_40 = vector.shape_cast %swap3A_39 : vector<1x16xf32> to vector<16xf32>
      %swap3A_41 = vector.shape_cast %broadcast_in_dim3A_3 : vector<16xf32> to vector<1x16xf32>
      tpu.vector_store %arg9[%swap3A, %swap3A_38], %swap3A_41 {strides = array<i32>} : memref<16x128xf32, #tpu.memory_space<vmem>>, vector<1x16xf32>,
      %swap3A_42 = arith.index_cast %scan3A_36 : i32 to index
      %swap3A_43 = arith.constant 16 : index
      %swap3A_44 = tpu.vector_load %arg9[%swap3A_42, %swap3A_43] {strides = array<i32>} : memref<16x128xf32, #tpu.memory_space<vmem>>, vector<1x16xf32>,
      %swap3A_45 = vector.shape_cast %swap3A_44 : vector<1x16xf32> to vector<16xf32>
      %swap3A_46 = vector.shape_cast %broadcast_in_dim3A_3 : vector<16xf32> to vector<1x16xf32>
      tpu.vector_store %arg9[%swap3A_42, %swap3A_43], %swap3A_46 {strides = array<i32>} : memref<16x128xf32, #tpu.memory_space<vmem>>, vector<1x16xf32>,
      %swap3A_47 = arith.index_cast %scan3A_36 : i32 to index
      %swap3A_48 = arith.constant 32 : index
      %swap3A_49 = tpu.vector_load %arg9[%swap3A_47, %swap3A_48] {strides = array<i32>} : memref<16x128xf32, #tpu.memory_space<vmem>>, vector<1x16xf32>,
      %swap3A_50 = vector.shape_cast %swap3A_49 : vector<1x16xf32> to vector<16xf32>
      %swap3A_51 = vector.shape_cast %broadcast_in_dim3A_3 : vector<16xf32> to vector<1x16xf32>
      tpu.vector_store %arg9[%swap3A_47, %swap3A_48], %swap3A_51 {strides = array<i32>} : memref<16x128xf32, #tpu.memory_space<vmem>>, vector<1x16xf32>,
      %swap3A_52 = arith.index_cast %scan3A_36 : i32 to index
      %swap3A_53 = arith.constant 48 : index
      %swap3A_54 = tpu.vector_load %arg9[%swap3A_52, %swap3A_53] {strides = array<i32>} : memref<16x128xf32, #tpu.memory_space<vmem>>, vector<1x16xf32>,
      %swap3A_55 = vector.shape_cast %swap3A_54 : vector<1x16xf32> to vector<16xf32>
      %swap3A_56 = vector.shape_cast %broadcast_in_dim3A_3 : vector<16xf32> to vector<1x16xf32>
      tpu.vector_store %arg9[%swap3A_52, %swap3A_53], %swap3A_56 {strides = array<i32>} : memref<16x128xf32, #tpu.memory_space<vmem>>, vector<1x16xf32>,
      %swap3A_57 = arith.index_cast %scan3A_36 : i32 to index
      %swap3A_58 = arith.constant 64 : index
      %swap3A_59 = tpu.vector_load %arg9[%swap3A_57, %swap3A_58] {strides = array<i32>} : memref<16x128xf32, #tpu.memory_space<vmem>>, vector<1x16xf32>,
      %swap3A_60 = vector.shape_cast %swap3A_59 : vector<1x16xf32> to vector<16xf32>
      %swap3A_61 = vector.shape_cast %broadcast_in_dim3A_3 : vector<16xf32> to vector<1x16xf32>
      tpu.vector_store %arg9[%swap3A_57, %swap3A_58], %swap3A_61 {strides = array<i32>} : memref<16x128xf32, #tpu.memory_space<vmem>>, vector<1x16xf32>,
      %swap3A_62 = arith.index_cast %scan3A_36 : i32 to index
      %swap3A_63 = arith.constant 80 : index
      %swap3A_64 = tpu.vector_load %arg9[%swap3A_62, %swap3A_63] {strides = array<i32>} : memref<16x128xf32, #tpu.memory_space<vmem>>, vector<1x16xf32>,
      %swap3A_65 = vector.shape_cast %swap3A_64 : vector<1x16xf32> to vector<16xf32>
      %swap3A_66 = vector.shape_cast %broadcast_in_dim3A_3 : vector<16xf32> to vector<1x16xf32>
      tpu.vector_store %arg9[%swap3A_62, %swap3A_63], %swap3A_66 {strides = array<i32>} : memref<16x128xf32, #tpu.memory_space<vmem>>, vector<1x16xf32>,
      %swap3A_67 = arith.index_cast %scan3A_36 : i32 to index
      %swap3A_68 = arith.constant 96 : index
      %swap3A_69 = tpu.vector_load %arg9[%swap3A_67, %swap3A_68] {strides = array<i32>} : memref<16x128xf32, #tpu.memory_space<vmem>>, vector<1x16xf32>,
      %swap3A_70 = vector.shape_cast %swap3A_69 : vector<1x16xf32> to vector<16xf32>
      %swap3A_71 = vector.shape_cast %broadcast_in_dim3A_3 : vector<16xf32> to vector<1x16xf32>
      tpu.vector_store %arg9[%swap3A_67, %swap3A_68], %swap3A_71 {strides = array<i32>} : memref<16x128xf32, #tpu.memory_space<vmem>>, vector<1x16xf32>,
      %swap3A_72 = arith.index_cast %scan3A_36 : i32 to index
      %swap3A_73 = arith.constant 112 : index
      %swap3A_74 = tpu.vector_load %arg9[%swap3A_72, %swap3A_73] {strides = array<i32>} : memref<16x128xf32, #tpu.memory_space<vmem>>, vector<1x16xf32>,
      %swap3A_75 = vector.shape_cast %swap3A_74 : vector<1x16xf32> to vector<16xf32>
      %swap3A_76 = vector.shape_cast %broadcast_in_dim3A_3 : vector<16xf32> to vector<1x16xf32>
      tpu.vector_store %arg9[%swap3A_72, %swap3A_73], %swap3A_76 {strides = array<i32>} : memref<16x128xf32, #tpu.memory_space<vmem>>, vector<1x16xf32>,
      %scan3A_77 = arith.constant 0 : i32
      scf.yield %scan3A_77 : i32
    }
    %scan3A_9 = arith.constant 16 : i32
    %mul3A_10 = arith.constant 624 : i32
    %mul3A_11 = arith.muli %arg1, %mul3A_10 : i32
    %scan3A_12 = arith.constant 0 : i32
    %scan3A_13 = arith.constant 0 : i32
    %scan3A_14 = arith.constant 39 : i32
    %scan3A_15 = arith.addi %scan3A_13, %scan3A_14 : i32
    %scan3A_16 = arith.constant 1 : i32
    %scan3A_17 = scf.for %scan3A_36 = %scan3A_13 to %scan3A_15 step %scan3A_16 iter_args(%scan3A_37 = %scan3A_12) -> (i32)  : i32 {
      %mul3A_38 = arith.constant 16 : i32
      %mul3A_39 = arith.muli %scan3A_36, %mul3A_38 : i32
      %add3A_40 = arith.addi %mul3A_11, %mul3A_39 : i32
      "tpu.region"() ({
        %run_scoped3A = tpu.sem_alloc : memref<!tpu.dma_semaphore, #tpu.memory_space<semaphore_mem>>
        %dma_start3A = arith.constant 0 : i32
        %dma_start3A_42 = tpu.memref_slice %arg10[%add3A_40, %dma_start3A] : memref<10000x128xf32, #tpu.memory_space<vmem_shared>> -> memref<16x128xf32, #tpu.memory_space<vmem_shared>>
        %dma_start3A_43 = arith.constant 0 : i32
        %dma_start3A_44 = tpu.memref_slice %arg10[%add3A_40, %dma_start3A_43] : memref<10000x128xf32, #tpu.memory_space<vmem_shared>> -> memref<16x128xf32, #tpu.memory_space<vmem_shared>>
        tpu.enqueue_dma source(%arg9 : memref<16x128xf32, #tpu.memory_space<vmem>>) target(%dma_start3A_44 : memref<16x128xf32, #tpu.memory_space<vmem_shared>>) target_semaphore(%run_scoped3A : memref<!tpu.dma_semaphore, #tpu.memory_space<semaphore_mem>>)
        %dma_wait3A = arith.constant 0 : i32
        %dma_wait3A_45 = tpu.memref_slice %arg10[%add3A_40, %dma_wait3A] : memref<10000x128xf32, #tpu.memory_space<vmem_shared>> -> memref<16x128xf32, #tpu.memory_space<vmem_shared>>
        %dma_wait3A_46 = arith.constant 0 : i32
        %dma_wait3A_47 = tpu.memref_slice %arg10[%add3A_40, %dma_wait3A_46] : memref<10000x128xf32, #tpu.memory_space<vmem_shared>> -> memref<16x128xf32, #tpu.memory_space<vmem_shared>>
        tpu.wait_dma2 semaphore(%run_scoped3A : memref<!tpu.dma_semaphore, #tpu.memory_space<semaphore_mem>>) src(%arg9 : memref<16x128xf32, #tpu.memory_space<vmem>>) dst(%dma_wait3A_47 : memref<16x128xf32, #tpu.memory_space<vmem_shared>>)
        tpu.yield
      }) : () -> ()
      %scan3A_41 = arith.constant 0 : i32
      scf.yield %scan3A_41 : i32
    }
    %scan3A_18 = arith.constant 39 : i32
    %eq3A = arith.constant 0 : i32
    %eq3A_19 = arith.cmpi eq, %arg1, %eq3A : i32
    %convert_element_type3A = arith.extui %eq3A_19 : i1 to i32
    %cond3A = arith.constant 0 : i32
    %cond3A_20 = arith.cmpi ne, %convert_element_type3A, %cond3A : i32
    scf.if %cond3A_20 {
      "tpu.region"() ({
        %run_scoped3A = tpu.sem_alloc : memref<!tpu.dma_semaphore, #tpu.memory_space<semaphore_mem>>
        %dma_start3A = arith.constant 9984 : i32
        %dma_start3A_36 = arith.constant 0 : i32
        %dma_start3A_37 = tpu.memref_slice %arg10[%dma_start3A, %dma_start3A_36] : memref<10000x128xf32, #tpu.memory_space<vmem_shared>> -> memref<16x128xf32, #tpu.memory_space<vmem_shared>>
        %dma_start3A_38 = arith.constant 9984 : i32
        %dma_start3A_39 = arith.constant 0 : i32
        %dma_start3A_40 = tpu.memref_slice %arg10[%dma_start3A_38, %dma_start3A_39] : memref<10000x128xf32, #tpu.memory_space<vmem_shared>> -> memref<16x128xf32, #tpu.memory_space<vmem_shared>>
        tpu.enqueue_dma source(%arg9 : memref<16x128xf32, #tpu.memory_space<vmem>>) target(%dma_start3A_40 : memref<16x128xf32, #tpu.memory_space<vmem_shared>>) target_semaphore(%run_scoped3A : memref<!tpu.dma_semaphore, #tpu.memory_space<semaphore_mem>>)
        %dma_wait3A = arith.constant 9984 : i32
        %dma_wait3A_41 = arith.constant 0 : i32
        %dma_wait3A_42 = tpu.memref_slice %arg10[%dma_wait3A, %dma_wait3A_41] : memref<10000x128xf32, #tpu.memory_space<vmem_shared>> -> memref<16x128xf32, #tpu.memory_space<vmem_shared>>
        %dma_wait3A_43 = arith.constant 9984 : i32
        %dma_wait3A_44 = arith.constant 0 : i32
        %dma_wait3A_45 = tpu.memref_slice %arg10[%dma_wait3A_43, %dma_wait3A_44] : memref<10000x128xf32, #tpu.memory_space<vmem_shared>> -> memref<16x128xf32, #tpu.memory_space<vmem_shared>>
        tpu.wait_dma2 semaphore(%run_scoped3A : memref<!tpu.dma_semaphore, #tpu.memory_space<semaphore_mem>>) src(%arg9 : memref<16x128xf32, #tpu.memory_space<vmem>>) dst(%dma_wait3A_45 : memref<16x128xf32, #tpu.memory_space<vmem_shared>>)
        tpu.yield
      }) : () -> ()
    } else {
    }
    %barrier3A = arith.constant 0 : index
    tpu.barrier barrier_id(%barrier3A)
    %scan3A_21 = arith.constant 0 : i32
    %scan3A_22 = arith.constant 0 : i32
    %scan3A_23 = arith.constant 125 : i32
    %scan3A_24 = arith.addi %scan3A_22, %scan3A_23 : i32
    %scan3A_25 = arith.constant 1 : i32
    %scan3A_26 = scf.for %scan3A_36 = %scan3A_22 to %scan3A_24 step %scan3A_25 iter_args(%scan3A_37 = %scan3A_21) -> (i32)  : i32 {
      %mul3A_38 = arith.constant 80 : i32
      %mul3A_39 = arith.muli %scan3A_36, %mul3A_38 : i32
      %add3A_40 = arith.addi %mul3A_2, %mul3A_39 : i32
      "tpu.region"() ({
        %run_scoped3A = tpu.sem_alloc : memref<!tpu.dma_semaphore, #tpu.memory_space<semaphore_mem>>
        %dma_start3A_46 = tpu.memref_slice %arg3[%add3A_40] : memref<320000xi32, #tpu.memory_space<hbm>> -> memref<80xi32, #tpu.memory_space<hbm>>
        %dma_start3A_47 = tpu.memref_slice %arg3[%add3A_40] : memref<320000xi32, #tpu.memory_space<hbm>> -> memref<80xi32, #tpu.memory_space<hbm>>
        tpu.enqueue_dma source(%dma_start3A_47 : memref<80xi32, #tpu.memory_space<hbm>>) target(%arg6 : memref<80xi32, #tpu.memory_space<vmem>>) target_semaphore(%run_scoped3A : memref<!tpu.dma_semaphore, #tpu.memory_space<semaphore_mem>>)
        %dma_wait3A_48 = tpu.memref_slice %arg3[%add3A_40] : memref<320000xi32, #tpu.memory_space<hbm>> -> memref<80xi32, #tpu.memory_space<hbm>>
        %dma_wait3A_49 = tpu.memref_slice %arg3[%add3A_40] : memref<320000xi32, #tpu.memory_space<hbm>> -> memref<80xi32, #tpu.memory_space<hbm>>
        tpu.wait_dma2 semaphore(%run_scoped3A : memref<!tpu.dma_semaphore, #tpu.memory_space<semaphore_mem>>) src(%dma_wait3A_49 : memref<80xi32, #tpu.memory_space<hbm>>) dst(%arg6 : memref<80xi32, #tpu.memory_space<vmem>>)
        tpu.yield
      }) : () -> ()
      "tpu.region"() ({
        %run_scoped3A = tpu.sem_alloc : memref<!tpu.dma_semaphore, #tpu.memory_space<semaphore_mem>>
        %dma_start3A_46 = tpu.memref_slice %arg4[%add3A_40] : memref<320000xi32, #tpu.memory_space<hbm>> -> memref<80xi32, #tpu.memory_space<hbm>>
        %dma_start3A_47 = tpu.memref_slice %arg4[%add3A_40] : memref<320000xi32, #tpu.memory_space<hbm>> -> memref<80xi32, #tpu.memory_space<hbm>>
        tpu.enqueue_dma source(%dma_start3A_47 : memref<80xi32, #tpu.memory_space<hbm>>) target(%arg7 : memref<80xi32, #tpu.memory_space<vmem>>) target_semaphore(%run_scoped3A : memref<!tpu.dma_semaphore, #tpu.memory_space<semaphore_mem>>)
        %dma_wait3A_48 = tpu.memref_slice %arg4[%add3A_40] : memref<320000xi32, #tpu.memory_space<hbm>> -> memref<80xi32, #tpu.memory_space<hbm>>
        %dma_wait3A_49 = tpu.memref_slice %arg4[%add3A_40] : memref<320000xi32, #tpu.memory_space<hbm>> -> memref<80xi32, #tpu.memory_space<hbm>>
        tpu.wait_dma2 semaphore(%run_scoped3A : memref<!tpu.dma_semaphore, #tpu.memory_space<semaphore_mem>>) src(%dma_wait3A_49 : memref<80xi32, #tpu.memory_space<hbm>>) dst(%arg7 : memref<80xi32, #tpu.memory_space<vmem>>)
        tpu.yield
      }) : () -> ()
      %dma_start3A = arith.constant 0 : i32
      %dma_start3A_41 = arith.constant 0 : i32
      %dma_start3A_42 = tpu.memref_slice %arg2[%dma_start3A, %dma_start3A_41] : memref<10000x128xf32, #tpu.memory_space<hbm>> -> memref<10000x128xf32, #tpu.memory_space<hbm>>
      tpu.enqueue_indirect_dma source(%dma_start3A_42 : memref<10000x128xf32, #tpu.memory_space<hbm>>) target(%arg8 : memref<80x128xf32, #tpu.memory_space<vmem>>) offsets(%arg6 : memref<80xi32, #tpu.memory_space<vmem>>) semaphore(%arg11 : memref<!tpu.dma_semaphore, #tpu.memory_space<semaphore_mem>>)
      %dma_wait3A = arith.constant 0 : i32
      %dma_wait3A_43 = arith.constant 0 : i32
      %dma_wait3A_44 = tpu.memref_slice %arg2[%dma_wait3A, %dma_wait3A_43] : memref<10000x128xf32, #tpu.memory_space<hbm>> -> memref<10000x128xf32, #tpu.memory_space<hbm>>
      tpu.wait_indirect_dma semaphore(%arg11 : memref<!tpu.dma_semaphore, #tpu.memory_space<semaphore_mem>>) src(%dma_wait3A_44 : memref<10000x128xf32, #tpu.memory_space<hbm>>) dst(%arg8 : memref<80x128xf32, #tpu.memory_space<vmem>>)
      "tpu.region"() ({
        %run_scoped3A = tpu.sem_alloc : memref<!tpu.dma_semaphore, #tpu.memory_space<semaphore_mem>>
        %dma_start3A_46 = arith.constant 0 : i32
        %dma_start3A_47 = arith.constant 0 : i32
        %dma_start3A_48 = tpu.memref_slice %arg10[%dma_start3A_46, %dma_start3A_47] : memref<10000x128xf32, #tpu.memory_space<vmem_shared>> -> memref<10000x128xf32, #tpu.memory_space<vmem_shared>>
        tpu.enqueue_indirect_dma source(%arg8 : memref<80x128xf32, #tpu.memory_space<vmem>>) target(%dma_start3A_48 : memref<10000x128xf32, #tpu.memory_space<vmem_shared>>) offsets(%arg7 : memref<80xi32, #tpu.memory_space<vmem>>) semaphore(%run_scoped3A : memref<!tpu.dma_semaphore, #tpu.memory_space<semaphore_mem>>) {add = true}
        %dma_wait3A_49 = arith.constant 0 : i32
        %dma_wait3A_50 = arith.constant 0 : i32
        %dma_wait3A_51 = tpu.memref_slice %arg10[%dma_wait3A_49, %dma_wait3A_50] : memref<10000x128xf32, #tpu.memory_space<vmem_shared>> -> memref<10000x128xf32, #tpu.memory_space<vmem_shared>>
        tpu.wait_indirect_dma semaphore(%run_scoped3A : memref<!tpu.dma_semaphore, #tpu.memory_space<semaphore_mem>>) src(%arg8 : memref<80x128xf32, #tpu.memory_space<vmem>>) dst(%dma_wait3A_51 : memref<10000x128xf32, #tpu.memory_space<vmem_shared>>)
        tpu.yield
      }) : () -> ()
      %scan3A_45 = arith.constant 0 : i32
      scf.yield %scan3A_45 : i32
    }
    %scan3A_27 = arith.constant 125 : i32
    %barrier3A_28 = arith.constant 0 : index
    tpu.barrier barrier_id(%barrier3A_28)
    %mul3A_29 = arith.constant 624 : i32
    %mul3A_30 = arith.muli %arg1, %mul3A_29 : i32
    "tpu.region"() ({
      %run_scoped3A = tpu.sem_alloc : memref<!tpu.dma_semaphore, #tpu.memory_space<semaphore_mem>>
      %dma_start3A = arith.constant 0 : i32
      %dma_start3A_36 = tpu.memref_slice %arg5[%arg0, %mul3A_30, %dma_start3A] : memref<2x10000x128xf32, #tpu.memory_space<hbm>> -> memref<1x624x128xf32, #tpu.memory_space<hbm>>
      %dma_start3A_37 = tpu.memref_squeeze %dma_start3A_36 : memref<1x624x128xf32, #tpu.memory_space<hbm>> -> memref<624x128xf32, #tpu.memory_space<hbm>>
      %dma_start3A_38 = arith.constant 0 : i32
      %dma_start3A_39 = tpu.memref_slice %arg10[%mul3A_30, %dma_start3A_38] : memref<10000x128xf32, #tpu.memory_space<vmem_shared>> -> memref<624x128xf32, #tpu.memory_space<vmem_shared>>
      tpu.enqueue_dma source(%dma_start3A_39 : memref<624x128xf32, #tpu.memory_space<vmem_shared>>) target(%dma_start3A_37 : memref<624x128xf32, #tpu.memory_space<hbm>>) target_semaphore(%run_scoped3A : memref<!tpu.dma_semaphore, #tpu.memory_space<semaphore_mem>>)
      %dma_wait3A = arith.constant 0 : i32
      %dma_wait3A_40 = tpu.memref_slice %arg5[%arg0, %mul3A_30, %dma_wait3A] : memref<2x10000x128xf32, #tpu.memory_space<hbm>> -> memref<1x624x128xf32, #tpu.memory_space<hbm>>
      %dma_wait3A_41 = tpu.memref_squeeze %dma_wait3A_40 : memref<1x624x128xf32, #tpu.memory_space<hbm>> -> memref<624x128xf32, #tpu.memory_space<hbm>>
      %dma_wait3A_42 = arith.constant 0 : i32
      %dma_wait3A_43 = tpu.memref_slice %arg10[%mul3A_30, %dma_wait3A_42] : memref<10000x128xf32, #tpu.memory_space<vmem_shared>> -> memref<624x128xf32, #tpu.memory_space<vmem_shared>>
      tpu.wait_dma2 semaphore(%run_scoped3A : memref<!tpu.dma_semaphore, #tpu.memory_space<semaphore_mem>>) src(%dma_wait3A_43 : memref<624x128xf32, #tpu.memory_space<vmem_shared>>) dst(%dma_wait3A_41 : memref<624x128xf32, #tpu.memory_space<hbm>>)
      tpu.yield
    }) : () -> ()
    %eq3A_31 = arith.constant 0 : i32
    %eq3A_32 = arith.cmpi eq, %arg1, %eq3A_31 : i32
    %convert_element_type3A_33 = arith.extui %eq3A_32 : i1 to i32
    %cond3A_34 = arith.constant 0 : i32
    %cond3A_35 = arith.cmpi ne, %convert_element_type3A_33, %cond3A_34 : i32
    scf.if %cond3A_35 {
      "tpu.region"() ({
        %run_scoped3A = tpu.sem_alloc : memref<!tpu.dma_semaphore, #tpu.memory_space<semaphore_mem>>
        %dma_start3A = arith.constant 9984 : i32
        %dma_start3A_36 = arith.constant 0 : i32
        %dma_start3A_37 = tpu.memref_slice %arg5[%arg0, %dma_start3A, %dma_start3A_36] : memref<2x10000x128xf32, #tpu.memory_space<hbm>> -> memref<1x16x128xf32, #tpu.memory_space<hbm>>
        %dma_start3A_38 = tpu.memref_squeeze %dma_start3A_37 : memref<1x16x128xf32, #tpu.memory_space<hbm>> -> memref<16x128xf32, #tpu.memory_space<hbm>>
        %dma_start3A_39 = arith.constant 9984 : i32
        %dma_start3A_40 = arith.constant 0 : i32
        %dma_start3A_41 = tpu.memref_slice %arg10[%dma_start3A_39, %dma_start3A_40] : memref<10000x128xf32, #tpu.memory_space<vmem_shared>> -> memref<16x128xf32, #tpu.memory_space<vmem_shared>>
        tpu.enqueue_dma source(%dma_start3A_41 : memref<16x128xf32, #tpu.memory_space<vmem_shared>>) target(%dma_start3A_38 : memref<16x128xf32, #tpu.memory_space<hbm>>) target_semaphore(%run_scoped3A : memref<!tpu.dma_semaphore, #tpu.memory_space<semaphore_mem>>)
        %dma_wait3A = arith.constant 9984 : i32
        %dma_wait3A_42 = arith.constant 0 : i32
        %dma_wait3A_43 = tpu.memref_slice %arg5[%arg0, %dma_wait3A, %dma_wait3A_42] : memref<2x10000x128xf32, #tpu.memory_space<hbm>> -> memref<1x16x128xf32, #tpu.memory_space<hbm>>
        %dma_wait3A_44 = tpu.memref_squeeze %dma_wait3A_43 : memref<1x16x128xf32, #tpu.memory_space<hbm>> -> memref<16x128xf32, #tpu.memory_space<hbm>>
        %dma_wait3A_45 = arith.constant 9984 : i32
        %dma_wait3A_46 = arith.constant 0 : i32
        %dma_wait3A_47 = tpu.memref_slice %arg10[%dma_wait3A_45, %dma_wait3A_46] : memref<10000x128xf32, #tpu.memory_space<vmem_shared>> -> memref<16x128xf32, #tpu.memory_space<vmem_shared>>
        tpu.wait_dma2 semaphore(%run_scoped3A : memref<!tpu.dma_semaphore, #tpu.memory_space<semaphore_mem>>) src(%dma_wait3A_47 : memref<16x128xf32, #tpu.memory_space<vmem_shared>>) dst(%dma_wait3A_44 : memref<16x128xf32, #tpu.memory_space<hbm>>)
        tpu.yield
      }) : () -> ()
    } else {
    }
    return
  }
}

#map = affine_map<(d0, d1) -> (0, 0)>
#map1 = affine_map<(d0, d1) -> (0)>
#map2 = affine_map<(d0, d1) -> (0, 0, 0)>
module attributes {stable_mosaic.version = 14 : i64} {
  func.func @_sc_agg(%arg0: i32, %arg1: i32, %arg2: memref<10000x128xf32, #tpu.memory_space<hbm>>, %arg3: memref<320000xi32, #tpu.memory_space<hbm>>, %arg4: memref<320000xi32, #tpu.memory_space<hbm>>, %arg5: memref<2x10000x128xf32, #tpu.memory_space<hbm>>, %arg6: memref<80xi32, #tpu.memory_space<vmem>>, %arg7: memref<80xi32, #tpu.memory_space<vmem>>, %arg8: memref<80x128xf32, #tpu.memory_space<vmem>>, %arg9: memref<16x128xf32, #tpu.memory_space<vmem>>, %arg10: memref<10000x128xf32, #tpu.memory_space<vmem_shared>>, %arg11: memref<!tpu.dma_semaphore, #tpu.memory_space<semaphore_mem>>) attributes {dimension_semantics = [#tpu.dimension_semantics<core_parallel>, #tpu.dimension_semantics<subcore_parallel>], iteration_bounds = array<i64: 2, 16>, scalar_prefetch = 0 : i64, scratch_operands = 6 : i64, tpu.core_type = #tpu.core_type<sc_vector_subcore>, window_params = [{transform_indices = #map}, {transform_indices = #map1}, {transform_indices = #map1}, {transform_indices = #map2}]} {
    %mul3A = arith.constant 2 : i32
    %mul3A_0 = arith.muli %arg1, %mul3A : i32
    %add3A = arith.addi %mul3A_0, %arg0 : i32
    %mul3A_1 = arith.constant 10000 : i32
    %mul3A_2 = arith.muli %add3A, %mul3A_1 : i32
    %broadcast_in_dim3A = arith.constant 0.000000e+00 : f32
    %broadcast_in_dim3A_3 = vector.broadcast %broadcast_in_dim3A : f32 to vector<16xf32>
    %scan3A = arith.constant 0 : i32
    %scan3A_4 = arith.constant 0 : i32
    %scan3A_5 = arith.constant 16 : i32
    %scan3A_6 = arith.addi %scan3A_4, %scan3A_5 : i32
    %scan3A_7 = arith.constant 1 : i32
    %scan3A_8 = scf.for %scan3A_36 = %scan3A_4 to %scan3A_6 step %scan3A_7 iter_args(%scan3A_37 = %scan3A) -> (i32)  : i32 {
      %swap3A = arith.index_cast %scan3A_36 : i32 to index
      %swap3A_38 = arith.constant 0 : index
      %swap3A_39 = tpu.vector_load %arg9[%swap3A, %swap3A_38] {strides = array<i32>} : memref<16x128xf32, #tpu.memory_space<vmem>>, vector<1x16xf32>,
      %swap3A_40 = vector.shape_cast %swap3A_39 : vector<1x16xf32> to vector<16xf32>
      %swap3A_41 = vector.shape_cast %broadcast_in_dim3A_3 : vector<16xf32> to vector<1x16xf32>
      tpu.vector_store %arg9[%swap3A, %swap3A_38], %swap3A_41 {strides = array<i32>} : memref<16x128xf32, #tpu.memory_space<vmem>>, vector<1x16xf32>,
      %swap3A_42 = arith.index_cast %scan3A_36 : i32 to index
      %swap3A_43 = arith.constant 16 : index
      %swap3A_44 = tpu.vector_load %arg9[%swap3A_42, %swap3A_43] {strides = array<i32>} : memref<16x128xf32, #tpu.memory_space<vmem>>, vector<1x16xf32>,
      %swap3A_45 = vector.shape_cast %swap3A_44 : vector<1x16xf32> to vector<16xf32>
      %swap3A_46 = vector.shape_cast %broadcast_in_dim3A_3 : vector<16xf32> to vector<1x16xf32>
      tpu.vector_store %arg9[%swap3A_42, %swap3A_43], %swap3A_46 {strides = array<i32>} : memref<16x128xf32, #tpu.memory_space<vmem>>, vector<1x16xf32>,
      %swap3A_47 = arith.index_cast %scan3A_36 : i32 to index
      %swap3A_48 = arith.constant 32 : index
      %swap3A_49 = tpu.vector_load %arg9[%swap3A_47, %swap3A_48] {strides = array<i32>} : memref<16x128xf32, #tpu.memory_space<vmem>>, vector<1x16xf32>,
      %swap3A_50 = vector.shape_cast %swap3A_49 : vector<1x16xf32> to vector<16xf32>
      %swap3A_51 = vector.shape_cast %broadcast_in_dim3A_3 : vector<16xf32> to vector<1x16xf32>
      tpu.vector_store %arg9[%swap3A_47, %swap3A_48], %swap3A_51 {strides = array<i32>} : memref<16x128xf32, #tpu.memory_space<vmem>>, vector<1x16xf32>,
      %swap3A_52 = arith.index_cast %scan3A_36 : i32 to index
      %swap3A_53 = arith.constant 48 : index
      %swap3A_54 = tpu.vector_load %arg9[%swap3A_52, %swap3A_53] {strides = array<i32>} : memref<16x128xf32, #tpu.memory_space<vmem>>, vector<1x16xf32>,
      %swap3A_55 = vector.shape_cast %swap3A_54 : vector<1x16xf32> to vector<16xf32>
      %swap3A_56 = vector.shape_cast %broadcast_in_dim3A_3 : vector<16xf32> to vector<1x16xf32>
      tpu.vector_store %arg9[%swap3A_52, %swap3A_53], %swap3A_56 {strides = array<i32>} : memref<16x128xf32, #tpu.memory_space<vmem>>, vector<1x16xf32>,
      %swap3A_57 = arith.index_cast %scan3A_36 : i32 to index
      %swap3A_58 = arith.constant 64 : index
      %swap3A_59 = tpu.vector_load %arg9[%swap3A_57, %swap3A_58] {strides = array<i32>} : memref<16x128xf32, #tpu.memory_space<vmem>>, vector<1x16xf32>,
      %swap3A_60 = vector.shape_cast %swap3A_59 : vector<1x16xf32> to vector<16xf32>
      %swap3A_61 = vector.shape_cast %broadcast_in_dim3A_3 : vector<16xf32> to vector<1x16xf32>
      tpu.vector_store %arg9[%swap3A_57, %swap3A_58], %swap3A_61 {strides = array<i32>} : memref<16x128xf32, #tpu.memory_space<vmem>>, vector<1x16xf32>,
      %swap3A_62 = arith.index_cast %scan3A_36 : i32 to index
      %swap3A_63 = arith.constant 80 : index
      %swap3A_64 = tpu.vector_load %arg9[%swap3A_62, %swap3A_63] {strides = array<i32>} : memref<16x128xf32, #tpu.memory_space<vmem>>, vector<1x16xf32>,
      %swap3A_65 = vector.shape_cast %swap3A_64 : vector<1x16xf32> to vector<16xf32>
      %swap3A_66 = vector.shape_cast %broadcast_in_dim3A_3 : vector<16xf32> to vector<1x16xf32>
      tpu.vector_store %arg9[%swap3A_62, %swap3A_63], %swap3A_66 {strides = array<i32>} : memref<16x128xf32, #tpu.memory_space<vmem>>, vector<1x16xf32>,
      %swap3A_67 = arith.index_cast %scan3A_36 : i32 to index
      %swap3A_68 = arith.constant 96 : index
      %swap3A_69 = tpu.vector_load %arg9[%swap3A_67, %swap3A_68] {strides = array<i32>} : memref<16x128xf32, #tpu.memory_space<vmem>>, vector<1x16xf32>,
      %swap3A_70 = vector.shape_cast %swap3A_69 : vector<1x16xf32> to vector<16xf32>
      %swap3A_71 = vector.shape_cast %broadcast_in_dim3A_3 : vector<16xf32> to vector<1x16xf32>
      tpu.vector_store %arg9[%swap3A_67, %swap3A_68], %swap3A_71 {strides = array<i32>} : memref<16x128xf32, #tpu.memory_space<vmem>>, vector<1x16xf32>,
      %swap3A_72 = arith.index_cast %scan3A_36 : i32 to index
      %swap3A_73 = arith.constant 112 : index
      %swap3A_74 = tpu.vector_load %arg9[%swap3A_72, %swap3A_73] {strides = array<i32>} : memref<16x128xf32, #tpu.memory_space<vmem>>, vector<1x16xf32>,
      %swap3A_75 = vector.shape_cast %swap3A_74 : vector<1x16xf32> to vector<16xf32>
      %swap3A_76 = vector.shape_cast %broadcast_in_dim3A_3 : vector<16xf32> to vector<1x16xf32>
      tpu.vector_store %arg9[%swap3A_72, %swap3A_73], %swap3A_76 {strides = array<i32>} : memref<16x128xf32, #tpu.memory_space<vmem>>, vector<1x16xf32>,
      %scan3A_77 = arith.constant 0 : i32
      scf.yield %scan3A_77 : i32
    }
    %scan3A_9 = arith.constant 16 : i32
    %mul3A_10 = arith.constant 624 : i32
    %mul3A_11 = arith.muli %arg1, %mul3A_10 : i32
    %scan3A_12 = arith.constant 0 : i32
    %scan3A_13 = arith.constant 0 : i32
    %scan3A_14 = arith.constant 39 : i32
    %scan3A_15 = arith.addi %scan3A_13, %scan3A_14 : i32
    %scan3A_16 = arith.constant 1 : i32
    %scan3A_17 = scf.for %scan3A_36 = %scan3A_13 to %scan3A_15 step %scan3A_16 iter_args(%scan3A_37 = %scan3A_12) -> (i32)  : i32 {
      %mul3A_38 = arith.constant 16 : i32
      %mul3A_39 = arith.muli %scan3A_36, %mul3A_38 : i32
      %add3A_40 = arith.addi %mul3A_11, %mul3A_39 : i32
      "tpu.region"() ({
        %run_scoped3A = tpu.sem_alloc : memref<!tpu.dma_semaphore, #tpu.memory_space<semaphore_mem>>
        %dma_start3A = arith.constant 0 : i32
        %dma_start3A_42 = tpu.memref_slice %arg10[%add3A_40, %dma_start3A] : memref<10000x128xf32, #tpu.memory_space<vmem_shared>> -> memref<16x128xf32, #tpu.memory_space<vmem_shared>>
        %dma_start3A_43 = arith.constant 0 : i32
        %dma_start3A_44 = tpu.memref_slice %arg10[%add3A_40, %dma_start3A_43] : memref<10000x128xf32, #tpu.memory_space<vmem_shared>> -> memref<16x128xf32, #tpu.memory_space<vmem_shared>>
        tpu.enqueue_dma source(%arg9 : memref<16x128xf32, #tpu.memory_space<vmem>>) target(%dma_start3A_44 : memref<16x128xf32, #tpu.memory_space<vmem_shared>>) target_semaphore(%run_scoped3A : memref<!tpu.dma_semaphore, #tpu.memory_space<semaphore_mem>>)
        %dma_wait3A = arith.constant 0 : i32
        %dma_wait3A_45 = tpu.memref_slice %arg10[%add3A_40, %dma_wait3A] : memref<10000x128xf32, #tpu.memory_space<vmem_shared>> -> memref<16x128xf32, #tpu.memory_space<vmem_shared>>
        %dma_wait3A_46 = arith.constant 0 : i32
        %dma_wait3A_47 = tpu.memref_slice %arg10[%add3A_40, %dma_wait3A_46] : memref<10000x128xf32, #tpu.memory_space<vmem_shared>> -> memref<16x128xf32, #tpu.memory_space<vmem_shared>>
        tpu.wait_dma2 semaphore(%run_scoped3A : memref<!tpu.dma_semaphore, #tpu.memory_space<semaphore_mem>>) src(%arg9 : memref<16x128xf32, #tpu.memory_space<vmem>>) dst(%dma_wait3A_47 : memref<16x128xf32, #tpu.memory_space<vmem_shared>>)
        tpu.yield
      }) : () -> ()
      %scan3A_41 = arith.constant 0 : i32
      scf.yield %scan3A_41 : i32
    }
    %scan3A_18 = arith.constant 39 : i32
    %eq3A = arith.constant 0 : i32
    %eq3A_19 = arith.cmpi eq, %arg1, %eq3A : i32
    %convert_element_type3A = arith.extui %eq3A_19 : i1 to i32
    %cond3A = arith.constant 0 : i32
    %cond3A_20 = arith.cmpi ne, %convert_element_type3A, %cond3A : i32
    scf.if %cond3A_20 {
      "tpu.region"() ({
        %run_scoped3A = tpu.sem_alloc : memref<!tpu.dma_semaphore, #tpu.memory_space<semaphore_mem>>
        %dma_start3A = arith.constant 9984 : i32
        %dma_start3A_36 = arith.constant 0 : i32
        %dma_start3A_37 = tpu.memref_slice %arg10[%dma_start3A, %dma_start3A_36] : memref<10000x128xf32, #tpu.memory_space<vmem_shared>> -> memref<16x128xf32, #tpu.memory_space<vmem_shared>>
        %dma_start3A_38 = arith.constant 9984 : i32
        %dma_start3A_39 = arith.constant 0 : i32
        %dma_start3A_40 = tpu.memref_slice %arg10[%dma_start3A_38, %dma_start3A_39] : memref<10000x128xf32, #tpu.memory_space<vmem_shared>> -> memref<16x128xf32, #tpu.memory_space<vmem_shared>>
        tpu.enqueue_dma source(%arg9 : memref<16x128xf32, #tpu.memory_space<vmem>>) target(%dma_start3A_40 : memref<16x128xf32, #tpu.memory_space<vmem_shared>>) target_semaphore(%run_scoped3A : memref<!tpu.dma_semaphore, #tpu.memory_space<semaphore_mem>>)
        %dma_wait3A = arith.constant 9984 : i32
        %dma_wait3A_41 = arith.constant 0 : i32
        %dma_wait3A_42 = tpu.memref_slice %arg10[%dma_wait3A, %dma_wait3A_41] : memref<10000x128xf32, #tpu.memory_space<vmem_shared>> -> memref<16x128xf32, #tpu.memory_space<vmem_shared>>
        %dma_wait3A_43 = arith.constant 9984 : i32
        %dma_wait3A_44 = arith.constant 0 : i32
        %dma_wait3A_45 = tpu.memref_slice %arg10[%dma_wait3A_43, %dma_wait3A_44] : memref<10000x128xf32, #tpu.memory_space<vmem_shared>> -> memref<16x128xf32, #tpu.memory_space<vmem_shared>>
        tpu.wait_dma2 semaphore(%run_scoped3A : memref<!tpu.dma_semaphore, #tpu.memory_space<semaphore_mem>>) src(%arg9 : memref<16x128xf32, #tpu.memory_space<vmem>>) dst(%dma_wait3A_45 : memref<16x128xf32, #tpu.memory_space<vmem_shared>>)
        tpu.yield
      }) : () -> ()
    } else {
    }
    %barrier3A = arith.constant 0 : index
    tpu.barrier barrier_id(%barrier3A)
    %scan3A_21 = arith.constant 0 : i32
    %scan3A_22 = arith.constant 0 : i32
    %scan3A_23 = arith.constant 125 : i32
    %scan3A_24 = arith.addi %scan3A_22, %scan3A_23 : i32
    %scan3A_25 = arith.constant 1 : i32
    %scan3A_26 = scf.for %scan3A_36 = %scan3A_22 to %scan3A_24 step %scan3A_25 iter_args(%scan3A_37 = %scan3A_21) -> (i32)  : i32 {
      %mul3A_38 = arith.constant 80 : i32
      %mul3A_39 = arith.muli %scan3A_36, %mul3A_38 : i32
      %add3A_40 = arith.addi %mul3A_2, %mul3A_39 : i32
      "tpu.region"() ({
        %run_scoped3A = tpu.sem_alloc : memref<!tpu.dma_semaphore, #tpu.memory_space<semaphore_mem>>
        %dma_start3A_46 = tpu.memref_slice %arg3[%add3A_40] : memref<320000xi32, #tpu.memory_space<hbm>> -> memref<80xi32, #tpu.memory_space<hbm>>
        %dma_start3A_47 = tpu.memref_slice %arg3[%add3A_40] : memref<320000xi32, #tpu.memory_space<hbm>> -> memref<80xi32, #tpu.memory_space<hbm>>
        tpu.enqueue_dma source(%dma_start3A_47 : memref<80xi32, #tpu.memory_space<hbm>>) target(%arg6 : memref<80xi32, #tpu.memory_space<vmem>>) target_semaphore(%run_scoped3A : memref<!tpu.dma_semaphore, #tpu.memory_space<semaphore_mem>>)
        %dma_wait3A_48 = tpu.memref_slice %arg3[%add3A_40] : memref<320000xi32, #tpu.memory_space<hbm>> -> memref<80xi32, #tpu.memory_space<hbm>>
        %dma_wait3A_49 = tpu.memref_slice %arg3[%add3A_40] : memref<320000xi32, #tpu.memory_space<hbm>> -> memref<80xi32, #tpu.memory_space<hbm>>
        tpu.wait_dma2 semaphore(%run_scoped3A : memref<!tpu.dma_semaphore, #tpu.memory_space<semaphore_mem>>) src(%dma_wait3A_49 : memref<80xi32, #tpu.memory_space<hbm>>) dst(%arg6 : memref<80xi32, #tpu.memory_space<vmem>>)
        tpu.yield
      }) : () -> ()
      "tpu.region"() ({
        %run_scoped3A = tpu.sem_alloc : memref<!tpu.dma_semaphore, #tpu.memory_space<semaphore_mem>>
        %dma_start3A_46 = tpu.memref_slice %arg4[%add3A_40] : memref<320000xi32, #tpu.memory_space<hbm>> -> memref<80xi32, #tpu.memory_space<hbm>>
        %dma_start3A_47 = tpu.memref_slice %arg4[%add3A_40] : memref<320000xi32, #tpu.memory_space<hbm>> -> memref<80xi32, #tpu.memory_space<hbm>>
        tpu.enqueue_dma source(%dma_start3A_47 : memref<80xi32, #tpu.memory_space<hbm>>) target(%arg7 : memref<80xi32, #tpu.memory_space<vmem>>) target_semaphore(%run_scoped3A : memref<!tpu.dma_semaphore, #tpu.memory_space<semaphore_mem>>)
        %dma_wait3A_48 = tpu.memref_slice %arg4[%add3A_40] : memref<320000xi32, #tpu.memory_space<hbm>> -> memref<80xi32, #tpu.memory_space<hbm>>
        %dma_wait3A_49 = tpu.memref_slice %arg4[%add3A_40] : memref<320000xi32, #tpu.memory_space<hbm>> -> memref<80xi32, #tpu.memory_space<hbm>>
        tpu.wait_dma2 semaphore(%run_scoped3A : memref<!tpu.dma_semaphore, #tpu.memory_space<semaphore_mem>>) src(%dma_wait3A_49 : memref<80xi32, #tpu.memory_space<hbm>>) dst(%arg7 : memref<80xi32, #tpu.memory_space<vmem>>)
        tpu.yield
      }) : () -> ()
      %dma_start3A = arith.constant 0 : i32
      %dma_start3A_41 = arith.constant 0 : i32
      %dma_start3A_42 = tpu.memref_slice %arg2[%dma_start3A, %dma_start3A_41] : memref<10000x128xf32, #tpu.memory_space<hbm>> -> memref<10000x128xf32, #tpu.memory_space<hbm>>
      tpu.enqueue_indirect_dma source(%dma_start3A_42 : memref<10000x128xf32, #tpu.memory_space<hbm>>) target(%arg8 : memref<80x128xf32, #tpu.memory_space<vmem>>) offsets(%arg6 : memref<80xi32, #tpu.memory_space<vmem>>) semaphore(%arg11 : memref<!tpu.dma_semaphore, #tpu.memory_space<semaphore_mem>>)
      %dma_wait3A = arith.constant 0 : i32
      %dma_wait3A_43 = arith.constant 0 : i32
      %dma_wait3A_44 = tpu.memref_slice %arg2[%dma_wait3A, %dma_wait3A_43] : memref<10000x128xf32, #tpu.memory_space<hbm>> -> memref<10000x128xf32, #tpu.memory_space<hbm>>
      tpu.wait_indirect_dma semaphore(%arg11 : memref<!tpu.dma_semaphore, #tpu.memory_space<semaphore_mem>>) src(%dma_wait3A_44 : memref<10000x128xf32, #tpu.memory_space<hbm>>) dst(%arg8 : memref<80x128xf32, #tpu.memory_space<vmem>>)
      "tpu.region"() ({
        %run_scoped3A = tpu.sem_alloc : memref<!tpu.dma_semaphore, #tpu.memory_space<semaphore_mem>>
        %dma_start3A_46 = arith.constant 0 : i32
        %dma_start3A_47 = arith.constant 0 : i32
        %dma_start3A_48 = tpu.memref_slice %arg10[%dma_start3A_46, %dma_start3A_47] : memref<10000x128xf32, #tpu.memory_space<vmem_shared>> -> memref<10000x128xf32, #tpu.memory_space<vmem_shared>>
        tpu.enqueue_indirect_dma source(%arg8 : memref<80x128xf32, #tpu.memory_space<vmem>>) target(%dma_start3A_48 : memref<10000x128xf32, #tpu.memory_space<vmem_shared>>) offsets(%arg7 : memref<80xi32, #tpu.memory_space<vmem>>) semaphore(%run_scoped3A : memref<!tpu.dma_semaphore, #tpu.memory_space<semaphore_mem>>) {add = true}
        %dma_wait3A_49 = arith.constant 0 : i32
        %dma_wait3A_50 = arith.constant 0 : i32
        %dma_wait3A_51 = tpu.memref_slice %arg10[%dma_wait3A_49, %dma_wait3A_50] : memref<10000x128xf32, #tpu.memory_space<vmem_shared>> -> memref<10000x128xf32, #tpu.memory_space<vmem_shared>>
        tpu.wait_indirect_dma semaphore(%run_scoped3A : memref<!tpu.dma_semaphore, #tpu.memory_space<semaphore_mem>>) src(%arg8 : memref<80x128xf32, #tpu.memory_space<vmem>>) dst(%dma_wait3A_51 : memref<10000x128xf32, #tpu.memory_space<vmem_shared>>)
        tpu.yield
      }) : () -> ()
      %scan3A_45 = arith.constant 0 : i32
      scf.yield %scan3A_45 : i32
    }
    %scan3A_27 = arith.constant 125 : i32
    %barrier3A_28 = arith.constant 0 : index
    tpu.barrier barrier_id(%barrier3A_28)
    %mul3A_29 = arith.constant 624 : i32
    %mul3A_30 = arith.muli %arg1, %mul3A_29 : i32
    "tpu.region"() ({
      %run_scoped3A = tpu.sem_alloc : memref<!tpu.dma_semaphore, #tpu.memory_space<semaphore_mem>>
      %dma_start3A = arith.constant 0 : i32
      %dma_start3A_36 = tpu.memref_slice %arg5[%arg0, %mul3A_30, %dma_start3A] : memref<2x10000x128xf32, #tpu.memory_space<hbm>> -> memref<1x624x128xf32, #tpu.memory_space<hbm>>
      %dma_start3A_37 = tpu.memref_squeeze %dma_start3A_36 : memref<1x624x128xf32, #tpu.memory_space<hbm>> -> memref<624x128xf32, #tpu.memory_space<hbm>>
      %dma_start3A_38 = arith.constant 0 : i32
      %dma_start3A_39 = tpu.memref_slice %arg10[%mul3A_30, %dma_start3A_38] : memref<10000x128xf32, #tpu.memory_space<vmem_shared>> -> memref<624x128xf32, #tpu.memory_space<vmem_shared>>
      tpu.enqueue_dma source(%dma_start3A_39 : memref<624x128xf32, #tpu.memory_space<vmem_shared>>) target(%dma_start3A_37 : memref<624x128xf32, #tpu.memory_space<hbm>>) target_semaphore(%run_scoped3A : memref<!tpu.dma_semaphore, #tpu.memory_space<semaphore_mem>>)
      %dma_wait3A = arith.constant 0 : i32
      %dma_wait3A_40 = tpu.memref_slice %arg5[%arg0, %mul3A_30, %dma_wait3A] : memref<2x10000x128xf32, #tpu.memory_space<hbm>> -> memref<1x624x128xf32, #tpu.memory_space<hbm>>
      %dma_wait3A_41 = tpu.memref_squeeze %dma_wait3A_40 : memref<1x624x128xf32, #tpu.memory_space<hbm>> -> memref<624x128xf32, #tpu.memory_space<hbm>>
      %dma_wait3A_42 = arith.constant 0 : i32
      %dma_wait3A_43 = tpu.memref_slice %arg10[%mul3A_30, %dma_wait3A_42] : memref<10000x128xf32, #tpu.memory_space<vmem_shared>> -> memref<624x128xf32, #tpu.memory_space<vmem_shared>>
      tpu.wait_dma2 semaphore(%run_scoped3A : memref<!tpu.dma_semaphore, #tpu.memory_space<semaphore_mem>>) src(%dma_wait3A_43 : memref<624x128xf32, #tpu.memory_space<vmem_shared>>) dst(%dma_wait3A_41 : memref<624x128xf32, #tpu.memory_space<hbm>>)
      tpu.yield
    }) : () -> ()
    %eq3A_31 = arith.constant 0 : i32
    %eq3A_32 = arith.cmpi eq, %arg1, %eq3A_31 : i32
    %convert_element_type3A_33 = arith.extui %eq3A_32 : i1 to i32
    %cond3A_34 = arith.constant 0 : i32
    %cond3A_35 = arith.cmpi ne, %convert_element_type3A_33, %cond3A_34 : i32
    scf.if %cond3A_35 {
      "tpu.region"() ({
        %run_scoped3A = tpu.sem_alloc : memref<!tpu.dma_semaphore, #tpu.memory_space<semaphore_mem>>
        %dma_start3A = arith.constant 9984 : i32
        %dma_start3A_36 = arith.constant 0 : i32
        %dma_start3A_37 = tpu.memref_slice %arg5[%arg0, %dma_start3A, %dma_start3A_36] : memref<2x10000x128xf32, #tpu.memory_space<hbm>> -> memref<1x16x128xf32, #tpu.memory_space<hbm>>
        %dma_start3A_38 = tpu.memref_squeeze %dma_start3A_37 : memref<1x16x128xf32, #tpu.memory_space<hbm>> -> memref<16x128xf32, #tpu.memory_space<hbm>>
        %dma_start3A_39 = arith.constant 9984 : i32
        %dma_start3A_40 = arith.constant 0 : i32
        %dma_start3A_41 = tpu.memref_slice %arg10[%dma_start3A_39, %dma_start3A_40] : memref<10000x128xf32, #tpu.memory_space<vmem_shared>> -> memref<16x128xf32, #tpu.memory_space<vmem_shared>>
        tpu.enqueue_dma source(%dma_start3A_41 : memref<16x128xf32, #tpu.memory_space<vmem_shared>>) target(%dma_start3A_38 : memref<16x128xf32, #tpu.memory_space<hbm>>) target_semaphore(%run_scoped3A : memref<!tpu.dma_semaphore, #tpu.memory_space<semaphore_mem>>)
        %dma_wait3A = arith.constant 9984 : i32
        %dma_wait3A_42 = arith.constant 0 : i32
        %dma_wait3A_43 = tpu.memref_slice %arg5[%arg0, %dma_wait3A, %dma_wait3A_42] : memref<2x10000x128xf32, #tpu.memory_space<hbm>> -> memref<1x16x128xf32, #tpu.memory_space<hbm>>
        %dma_wait3A_44 = tpu.memref_squeeze %dma_wait3A_43 : memref<1x16x128xf32, #tpu.memory_space<hbm>> -> memref<16x128xf32, #tpu.memory_space<hbm>>
        %dma_wait3A_45 = arith.constant 9984 : i32
        %dma_wait3A_46 = arith.constant 0 : i32
        %dma_wait3A_47 = tpu.memref_slice %arg10[%dma_wait3A_45, %dma_wait3A_46] : memref<10000x128xf32, #tpu.memory_space<vmem_shared>> -> memref<16x128xf32, #tpu.memory_space<vmem_shared>>
        tpu.wait_dma2 semaphore(%run_scoped3A : memref<!tpu.dma_semaphore, #tpu.memory_space<semaphore_mem>>) src(%dma_wait3A_47 : memref<16x128xf32, #tpu.memory_space<vmem_shared>>) dst(%dma_wait3A_44 : memref<16x128xf32, #tpu.memory_space<hbm>>)
        tpu.yield
      }) : () -> ()
    } else {
    }
    return
  }
}

module attributes {stable_mosaic.version = 14 : i64} {
  func.func @_stage_a_body(%arg0: i32, %arg1: memref<2000x128xf32, #tpu.memory_space<vmem>>, %arg2: memref<2x2000x16xf32, #tpu.memory_space<vmem>>, %arg3: memref<2x2000x16xf32, #tpu.memory_space<vmem>>, %arg4: memref<144x128xf32, #tpu.memory_space<vmem>>, %arg5: memref<2000x144xf32, #tpu.memory_space<vmem>>, %arg6: memref<2000x128xf32, #tpu.memory_space<vmem>>, %arg7: memref<2000x1xf32, #tpu.memory_space<vmem>>) attributes {dimension_semantics = [#tpu.dimension_semantics<arbitrary>], iteration_bounds = array<i64: 5>, scalar_prefetch = 0 : i64, scratch_operands = 0 : i64, tpu.core_type = #tpu.core_type<tc>, window_params = [{transform_indices = @transform_0, window_bounds = array<i64: 2000, 128>}, {transform_indices = @transform_1, window_bounds = array<i64: 2, 2000, 16>}, {transform_indices = @transform_2, window_bounds = array<i64: 2, 2000, 16>}, {pipeline_mode = #tpu.pipeline_mode<synchronous>, transform_indices = @transform_3, window_bounds = array<i64: 144, 128>}, {transform_indices = @transform_4, window_bounds = array<i64: 2000, 144>}, {transform_indices = @transform_5, window_bounds = array<i64: 2000, 128>}, {transform_indices = @transform_6, window_bounds = array<i64: 2000, 1>}]} {
    %get3A = arith.constant 0 : index
    %get3A_0 = arith.constant 0 : index
    %get3A_1 = arith.constant 0 : index
    %get3A_2 = vector.load %arg3[%get3A, %get3A_0, %get3A_1] : memref<2x2000x16xf32, #tpu.memory_space<vmem>>, vector<1x2000x16xf32>
    %get3A_3 = vector.shape_cast %get3A_2 : vector<1x2000x16xf32> to vector<2000x16xf32>
    %get3A_4 = arith.constant 1 : index
    %get3A_5 = arith.constant 0 : index
    %get3A_6 = arith.constant 0 : index
    %get3A_7 = vector.load %arg3[%get3A_4, %get3A_5, %get3A_6] : memref<2x2000x16xf32, #tpu.memory_space<vmem>>, vector<1x2000x16xf32>
    %get3A_8 = vector.shape_cast %get3A_7 : vector<1x2000x16xf32> to vector<2000x16xf32>
    %add3A = arith.addf %get3A_3, %get3A_8 : vector<2000x16xf32>
    %slice3A = vector.extract_strided_slice %add3A {offsets = [0, 0], sizes = [2000, 1], strides = [1, 1]} : vector<2000x16xf32> to vector<2000x1xf32>
    %max3A = arith.constant 1.000000e+00 : f32
    %max3A_9 = vector.broadcast %max3A : f32 to vector<2000x1xf32>
    %max3A_10 = arith.maximumf %slice3A, %max3A_9 : vector<2000x1xf32>
    %get3A_11 = arith.constant 0 : index
    %get3A_12 = arith.constant 0 : index
    %get3A_13 = arith.constant 0 : index
    %get3A_14 = vector.load %arg2[%get3A_11, %get3A_12, %get3A_13] : memref<2x2000x16xf32, #tpu.memory_space<vmem>>, vector<1x2000x16xf32>
    %get3A_15 = vector.shape_cast %get3A_14 : vector<1x2000x16xf32> to vector<2000x16xf32>
    %get3A_16 = arith.constant 1 : index
    %get3A_17 = arith.constant 0 : index
    %get3A_18 = arith.constant 0 : index
    %get3A_19 = vector.load %arg2[%get3A_16, %get3A_17, %get3A_18] : memref<2x2000x16xf32, #tpu.memory_space<vmem>>, vector<1x2000x16xf32>
    %get3A_20 = vector.shape_cast %get3A_19 : vector<1x2000x16xf32> to vector<2000x16xf32>
    %add3A_21 = arith.addf %get3A_15, %get3A_20 : vector<2000x16xf32>
    %div3A = vector.broadcast %max3A_10 : vector<2000x1xf32> to vector<2000x16xf32>
    %div3A_22 = arith.divf %add3A_21, %div3A : vector<2000x16xf32>
    %get3A_23 = arith.constant 0 : index
    %get3A_24 = arith.constant 0 : index
    %get3A_25 = vector.load %arg1[%get3A_23, %get3A_24] : memref<2000x128xf32, #tpu.memory_space<vmem>>, vector<2000x128xf32>
    %concatenate3A = tpu.concatenate %get3A_25, %div3A_22 in 1 : vector<2000x128xf32>, vector<2000x16xf32> -> vector<2000x144xf32>
    %swap3A = arith.constant 0 : index
    %swap3A_26 = arith.constant 0 : index
    %swap3A_27 = vector.load %arg5[%swap3A, %swap3A_26] : memref<2000x144xf32, #tpu.memory_space<vmem>>, vector<2000x144xf32>
    tpu.vector_store %arg5[%swap3A, %swap3A_26], %concatenate3A {strides = array<i32>} : memref<2000x144xf32, #tpu.memory_space<vmem>>, vector<2000x144xf32>,
    %get3A_28 = arith.constant 0 : index
    %get3A_29 = arith.constant 0 : index
    %get3A_30 = vector.load %arg4[%get3A_28, %get3A_29] : memref<144x128xf32, #tpu.memory_space<vmem>>, vector<144x128xf32>
    %dot_general3A = arith.constant dense<0.000000e+00> : vector<2000x128xf32>
    %dot_general3A_31 = tpu.matmul %concatenate3A, %get3A_30, %dot_general3A {dimension_numbers = #tpu.dot_dimension_numbers<[1], [0], [0], [1], [0, 0, 1, 1], [], []>, transpose_lhs_hint = false} : vector<2000x144xf32>, vector<144x128xf32>, vector<2000x128xf32> -> vector<2000x128xf32>
    %swap3A_32 = arith.constant 0 : index
    %swap3A_33 = arith.constant 0 : index
    %swap3A_34 = vector.load %arg6[%swap3A_32, %swap3A_33] : memref<2000x128xf32, #tpu.memory_space<vmem>>, vector<2000x128xf32>
    tpu.vector_store %arg6[%swap3A_32, %swap3A_33], %dot_general3A_31 {strides = array<i32>} : memref<2000x128xf32, #tpu.memory_space<vmem>>, vector<2000x128xf32>,
    %swap3A_35 = arith.constant 0 : index
    %swap3A_36 = arith.constant 0 : index
    %swap3A_37 = vector.load %arg7[%swap3A_35, %swap3A_36] : memref<2000x1xf32, #tpu.memory_space<vmem>>, vector<2000x1xf32>
    tpu.vector_store %arg7[%swap3A_35, %swap3A_36], %max3A_10 {strides = array<i32>} : memref<2000x1xf32, #tpu.memory_space<vmem>>, vector<2000x1xf32>,
    return
  }
  func.func @transform_0(%arg0: i32) -> (i32, i32) {
    %c0_i32 = arith.constant 0 : i32
    %c0_i32_0 = arith.constant 0 : i32
    return %arg0, %c0_i32 : i32, i32
  }
  func.func @transform_1(%arg0: i32) -> (i32, i32, i32) {
    %c0_i32 = arith.constant 0 : i32
    %c0_i32_0 = arith.constant 0 : i32
    %c0_i32_1 = arith.constant 0 : i32
    return %c0_i32, %arg0, %c0_i32_0 : i32, i32, i32
  }
  func.func @transform_2(%arg0: i32) -> (i32, i32, i32) {
    %c0_i32 = arith.constant 0 : i32
    %c0_i32_0 = arith.constant 0 : i32
    %c0_i32_1 = arith.constant 0 : i32
    return %c0_i32, %arg0, %c0_i32_0 : i32, i32, i32
  }
  func.func @transform_3(%arg0: i32) -> (i32, i32) {
    %c0_i32 = arith.constant 0 : i32
    %c0_i32_0 = arith.constant 0 : i32
    %c0_i32_1 = arith.constant 0 : i32
    return %c0_i32, %c0_i32_0 : i32, i32
  }
  func.func @transform_4(%arg0: i32) -> (i32, i32) {
    %c0_i32 = arith.constant 0 : i32
    %c0_i32_0 = arith.constant 0 : i32
    return %arg0, %c0_i32 : i32, i32
  }
  func.func @transform_5(%arg0: i32) -> (i32, i32) {
    %c0_i32 = arith.constant 0 : i32
    %c0_i32_0 = arith.constant 0 : i32
    return %arg0, %c0_i32 : i32, i32
  }
  func.func @transform_6(%arg0: i32) -> (i32, i32) {
    %c0_i32 = arith.constant 0 : i32
    %c0_i32_0 = arith.constant 0 : i32
    return %arg0, %c0_i32 : i32, i32
  }
}

module attributes {stable_mosaic.version = 14 : i64} {
  func.func @_stage_b_body(%arg0: i32, %arg1: memref<2000x144xf32, #tpu.memory_space<vmem>>, %arg2: memref<2x2000x128xf32, #tpu.memory_space<vmem>>, %arg3: memref<2000x1xf32, #tpu.memory_space<vmem>>, %arg4: memref<144x128xf32, #tpu.memory_space<vmem>>, %arg5: memref<1x128xf32, #tpu.memory_space<vmem>>, %arg6: memref<128x128xf32, #tpu.memory_space<vmem>>, %arg7: memref<2000x128xf32, #tpu.memory_space<vmem>>, %arg8: memref<2000x128xf32, #tpu.memory_space<vmem>>) attributes {dimension_semantics = [#tpu.dimension_semantics<arbitrary>], iteration_bounds = array<i64: 5>, scalar_prefetch = 0 : i64, scratch_operands = 0 : i64, tpu.core_type = #tpu.core_type<tc>, window_params = [{transform_indices = @transform_0, window_bounds = array<i64: 2000, 144>}, {transform_indices = @transform_1, window_bounds = array<i64: 2, 2000, 128>}, {transform_indices = @transform_2, window_bounds = array<i64: 2000, 1>}, {pipeline_mode = #tpu.pipeline_mode<synchronous>, transform_indices = @transform_3, window_bounds = array<i64: 144, 128>}, {pipeline_mode = #tpu.pipeline_mode<synchronous>, transform_indices = @transform_4, window_bounds = array<i64: 1, 128>}, {pipeline_mode = #tpu.pipeline_mode<synchronous>, transform_indices = @transform_5, window_bounds = array<i64: 128, 128>}, {transform_indices = @transform_6, window_bounds = array<i64: 2000, 128>}, {transform_indices = @transform_7, window_bounds = array<i64: 2000, 128>}]} {
    %get3A = arith.constant 0 : index
    %get3A_0 = arith.constant 0 : index
    %get3A_1 = arith.constant 0 : index
    %get3A_2 = vector.load %arg2[%get3A, %get3A_0, %get3A_1] : memref<2x2000x128xf32, #tpu.memory_space<vmem>>, vector<1x2000x128xf32>
    %get3A_3 = vector.shape_cast %get3A_2 : vector<1x2000x128xf32> to vector<2000x128xf32>
    %get3A_4 = arith.constant 1 : index
    %get3A_5 = arith.constant 0 : index
    %get3A_6 = arith.constant 0 : index
    %get3A_7 = vector.load %arg2[%get3A_4, %get3A_5, %get3A_6] : memref<2x2000x128xf32, #tpu.memory_space<vmem>>, vector<1x2000x128xf32>
    %get3A_8 = vector.shape_cast %get3A_7 : vector<1x2000x128xf32> to vector<2000x128xf32>
    %add3A = arith.addf %get3A_3, %get3A_8 : vector<2000x128xf32>
    %get3A_9 = arith.constant 0 : index
    %get3A_10 = arith.constant 0 : index
    %get3A_11 = vector.load %arg3[%get3A_9, %get3A_10] : memref<2000x1xf32, #tpu.memory_space<vmem>>, vector<2000x1xf32>
    %div3A = vector.broadcast %get3A_11 : vector<2000x1xf32> to vector<2000x128xf32>
    %div3A_12 = arith.divf %add3A, %div3A : vector<2000x128xf32>
    %get3A_13 = arith.constant 0 : index
    %get3A_14 = arith.constant 0 : index
    %get3A_15 = vector.load %arg1[%get3A_13, %get3A_14] : memref<2000x144xf32, #tpu.memory_space<vmem>>, vector<2000x144xf32>
    %get3A_16 = arith.constant 0 : index
    %get3A_17 = arith.constant 0 : index
    %get3A_18 = vector.load %arg4[%get3A_16, %get3A_17] : memref<144x128xf32, #tpu.memory_space<vmem>>, vector<144x128xf32>
    %dot_general3A = arith.constant dense<0.000000e+00> : vector<2000x128xf32>
    %dot_general3A_19 = tpu.matmul %get3A_15, %get3A_18, %dot_general3A {dimension_numbers = #tpu.dot_dimension_numbers<[1], [0], [0], [1], [0, 0, 1, 1], [], []>, transpose_lhs_hint = false} : vector<2000x144xf32>, vector<144x128xf32>, vector<2000x128xf32> -> vector<2000x128xf32>
    %add3A_20 = arith.addf %dot_general3A_19, %div3A_12 : vector<2000x128xf32>
    %get3A_21 = arith.constant 0 : index
    %get3A_22 = arith.constant 0 : index
    %get3A_23 = vector.load %arg5[%get3A_21, %get3A_22] : memref<1x128xf32, #tpu.memory_space<vmem>>, vector<1x128xf32>
    %add3A_24 = vector.broadcast %get3A_23 : vector<1x128xf32> to vector<2000x128xf32>
    %add3A_25 = arith.addf %add3A_20, %add3A_24 : vector<2000x128xf32>
    %max3A = arith.constant 0.000000e+00 : f32
    %max3A_26 = vector.broadcast %max3A : f32 to vector<2000x128xf32>
    %max3A_27 = arith.maximumf %add3A_25, %max3A_26 : vector<2000x128xf32>
    %swap3A = arith.constant 0 : index
    %swap3A_28 = arith.constant 0 : index
    %swap3A_29 = vector.load %arg7[%swap3A, %swap3A_28] : memref<2000x128xf32, #tpu.memory_space<vmem>>, vector<2000x128xf32>
    tpu.vector_store %arg7[%swap3A, %swap3A_28], %max3A_27 {strides = array<i32>} : memref<2000x128xf32, #tpu.memory_space<vmem>>, vector<2000x128xf32>,
    %get3A_30 = arith.constant 0 : index
    %get3A_31 = arith.constant 0 : index
    %get3A_32 = vector.load %arg6[%get3A_30, %get3A_31] : memref<128x128xf32, #tpu.memory_space<vmem>>, vector<128x128xf32>
    %dot_general3A_33 = arith.constant dense<0.000000e+00> : vector<2000x128xf32>
    %dot_general3A_34 = tpu.matmul %max3A_27, %get3A_32, %dot_general3A_33 {dimension_numbers = #tpu.dot_dimension_numbers<[1], [0], [0], [1], [0, 0, 1, 1], [], []>, transpose_lhs_hint = false} : vector<2000x128xf32>, vector<128x128xf32>, vector<2000x128xf32> -> vector<2000x128xf32>
    %swap3A_35 = arith.constant 0 : index
    %swap3A_36 = arith.constant 0 : index
    %swap3A_37 = vector.load %arg8[%swap3A_35, %swap3A_36] : memref<2000x128xf32, #tpu.memory_space<vmem>>, vector<2000x128xf32>
    tpu.vector_store %arg8[%swap3A_35, %swap3A_36], %dot_general3A_34 {strides = array<i32>} : memref<2000x128xf32, #tpu.memory_space<vmem>>, vector<2000x128xf32>,
    return
  }
  func.func @transform_0(%arg0: i32) -> (i32, i32) {
    %c0_i32 = arith.constant 0 : i32
    %c0_i32_0 = arith.constant 0 : i32
    return %arg0, %c0_i32 : i32, i32
  }
  func.func @transform_1(%arg0: i32) -> (i32, i32, i32) {
    %c0_i32 = arith.constant 0 : i32
    %c0_i32_0 = arith.constant 0 : i32
    %c0_i32_1 = arith.constant 0 : i32
    return %c0_i32, %arg0, %c0_i32_0 : i32, i32, i32
  }
  func.func @transform_2(%arg0: i32) -> (i32, i32) {
    %c0_i32 = arith.constant 0 : i32
    %c0_i32_0 = arith.constant 0 : i32
    return %arg0, %c0_i32 : i32, i32
  }
  func.func @transform_3(%arg0: i32) -> (i32, i32) {
    %c0_i32 = arith.constant 0 : i32
    %c0_i32_0 = arith.constant 0 : i32
    %c0_i32_1 = arith.constant 0 : i32
    return %c0_i32, %c0_i32_0 : i32, i32
  }
  func.func @transform_4(%arg0: i32) -> (i32, i32) {
    %c0_i32 = arith.constant 0 : i32
    %c0_i32_0 = arith.constant 0 : i32
    %c0_i32_1 = arith.constant 0 : i32
    return %c0_i32, %c0_i32_0 : i32, i32
  }
  func.func @transform_5(%arg0: i32) -> (i32, i32) {
    %c0_i32 = arith.constant 0 : i32
    %c0_i32_0 = arith.constant 0 : i32
    %c0_i32_1 = arith.constant 0 : i32
    return %c0_i32, %c0_i32_0 : i32, i32
  }
  func.func @transform_6(%arg0: i32) -> (i32, i32) {
    %c0_i32 = arith.constant 0 : i32
    %c0_i32_0 = arith.constant 0 : i32
    return %arg0, %c0_i32 : i32, i32
  }
  func.func @transform_7(%arg0: i32) -> (i32, i32) {
    %c0_i32 = arith.constant 0 : i32
    %c0_i32_0 = arith.constant 0 : i32
    return %arg0, %c0_i32 : i32, i32
  }
}

module attributes {stable_mosaic.version = 14 : i64} {
  func.func @_stage_c_body(%arg0: i32, %arg1: memref<2000x128xf32, #tpu.memory_space<vmem>>, %arg2: memref<2x2000x128xf32, #tpu.memory_space<vmem>>, %arg3: memref<2000x1xf32, #tpu.memory_space<vmem>>, %arg4: memref<128x128xf32, #tpu.memory_space<vmem>>, %arg5: memref<1x128xf32, #tpu.memory_space<vmem>>, %arg6: memref<2000x128xf32, #tpu.memory_space<vmem>>) attributes {dimension_semantics = [#tpu.dimension_semantics<arbitrary>], iteration_bounds = array<i64: 5>, scalar_prefetch = 0 : i64, scratch_operands = 0 : i64, tpu.core_type = #tpu.core_type<tc>, window_params = [{transform_indices = @transform_0, window_bounds = array<i64: 2000, 128>}, {transform_indices = @transform_1, window_bounds = array<i64: 2, 2000, 128>}, {transform_indices = @transform_2, window_bounds = array<i64: 2000, 1>}, {pipeline_mode = #tpu.pipeline_mode<synchronous>, transform_indices = @transform_3, window_bounds = array<i64: 128, 128>}, {pipeline_mode = #tpu.pipeline_mode<synchronous>, transform_indices = @transform_4, window_bounds = array<i64: 1, 128>}, {transform_indices = @transform_5, window_bounds = array<i64: 2000, 128>}]} {
    %get3A = arith.constant 0 : index
    %get3A_0 = arith.constant 0 : index
    %get3A_1 = arith.constant 0 : index
    %get3A_2 = vector.load %arg2[%get3A, %get3A_0, %get3A_1] : memref<2x2000x128xf32, #tpu.memory_space<vmem>>, vector<1x2000x128xf32>
    %get3A_3 = vector.shape_cast %get3A_2 : vector<1x2000x128xf32> to vector<2000x128xf32>
    %get3A_4 = arith.constant 1 : index
    %get3A_5 = arith.constant 0 : index
    %get3A_6 = arith.constant 0 : index
    %get3A_7 = vector.load %arg2[%get3A_4, %get3A_5, %get3A_6] : memref<2x2000x128xf32, #tpu.memory_space<vmem>>, vector<1x2000x128xf32>
    %get3A_8 = vector.shape_cast %get3A_7 : vector<1x2000x128xf32> to vector<2000x128xf32>
    %add3A = arith.addf %get3A_3, %get3A_8 : vector<2000x128xf32>
    %get3A_9 = arith.constant 0 : index
    %get3A_10 = arith.constant 0 : index
    %get3A_11 = vector.load %arg3[%get3A_9, %get3A_10] : memref<2000x1xf32, #tpu.memory_space<vmem>>, vector<2000x1xf32>
    %div3A = vector.broadcast %get3A_11 : vector<2000x1xf32> to vector<2000x128xf32>
    %div3A_12 = arith.divf %add3A, %div3A : vector<2000x128xf32>
    %get3A_13 = arith.constant 0 : index
    %get3A_14 = arith.constant 0 : index
    %get3A_15 = vector.load %arg1[%get3A_13, %get3A_14] : memref<2000x128xf32, #tpu.memory_space<vmem>>, vector<2000x128xf32>
    %get3A_16 = arith.constant 0 : index
    %get3A_17 = arith.constant 0 : index
    %get3A_18 = vector.load %arg4[%get3A_16, %get3A_17] : memref<128x128xf32, #tpu.memory_space<vmem>>, vector<128x128xf32>
    %dot_general3A = arith.constant dense<0.000000e+00> : vector<2000x128xf32>
    %dot_general3A_19 = tpu.matmul %get3A_15, %get3A_18, %dot_general3A {dimension_numbers = #tpu.dot_dimension_numbers<[1], [0], [0], [1], [0, 0, 1, 1], [], []>, transpose_lhs_hint = false} : vector<2000x128xf32>, vector<128x128xf32>, vector<2000x128xf32> -> vector<2000x128xf32>
    %add3A_20 = arith.addf %dot_general3A_19, %div3A_12 : vector<2000x128xf32>
    %get3A_21 = arith.constant 0 : index
    %get3A_22 = arith.constant 0 : index
    %get3A_23 = vector.load %arg5[%get3A_21, %get3A_22] : memref<1x128xf32, #tpu.memory_space<vmem>>, vector<1x128xf32>
    %add3A_24 = vector.broadcast %get3A_23 : vector<1x128xf32> to vector<2000x128xf32>
    %add3A_25 = arith.addf %add3A_20, %add3A_24 : vector<2000x128xf32>
    %swap3A = arith.constant 0 : index
    %swap3A_26 = arith.constant 0 : index
    %swap3A_27 = vector.load %arg6[%swap3A, %swap3A_26] : memref<2000x128xf32, #tpu.memory_space<vmem>>, vector<2000x128xf32>
    tpu.vector_store %arg6[%swap3A, %swap3A_26], %add3A_25 {strides = array<i32>} : memref<2000x128xf32, #tpu.memory_space<vmem>>, vector<2000x128xf32>,
    return
  }
  func.func @transform_0(%arg0: i32) -> (i32, i32) {
    %c0_i32 = arith.constant 0 : i32
    %c0_i32_0 = arith.constant 0 : i32
    return %arg0, %c0_i32 : i32, i32
  }
  func.func @transform_1(%arg0: i32) -> (i32, i32, i32) {
    %c0_i32 = arith.constant 0 : i32
    %c0_i32_0 = arith.constant 0 : i32
    %c0_i32_1 = arith.constant 0 : i32
    return %c0_i32, %arg0, %c0_i32_0 : i32, i32, i32
  }
  func.func @transform_2(%arg0: i32) -> (i32, i32) {
    %c0_i32 = arith.constant 0 : i32
    %c0_i32_0 = arith.constant 0 : i32
    return %arg0, %c0_i32 : i32, i32
  }
  func.func @transform_3(%arg0: i32) -> (i32, i32) {
    %c0_i32 = arith.constant 0 : i32
    %c0_i32_0 = arith.constant 0 : i32
    %c0_i32_1 = arith.constant 0 : i32
    return %c0_i32, %c0_i32_0 : i32, i32
  }
  func.func @transform_4(%arg0: i32) -> (i32, i32) {
    %c0_i32 = arith.constant 0 : i32
    %c0_i32_0 = arith.constant 0 : i32
    %c0_i32_1 = arith.constant 0 : i32
    return %c0_i32, %c0_i32_0 : i32, i32
  }
  func.func @transform_5(%arg0: i32) -> (i32, i32) {
    %c0_i32 = arith.constant 0 : i32
    %c0_i32_0 = arith.constant 0 : i32
    return %arg0, %c0_i32 : i32, i32
  }
}

</mosaic_0001>

<sc_bundles>
// kernel: kernel.11.cloned.1.call-start
scs
__scs_entry_jumppad:
0x0: {  	(pc) =	sbr.rel $0x88, $3  }
0x1: {  	(tag) =	ssettag $0x0;
	lr =	simm.s32 $0x1  }
0x2: {  	[smem:$0x3F98] =	sst lr;
	_ =	strace $0xD0000000  }
0x3: {  	_ = 	snop  }
0x4: {  	_ = 	snop  }
0x5: {  	_ = 	snop  }
0x6: {  	_ = 	snop  }
0x7: {  	_ = 	snop  }
__scs_overlays_trampoline_lowered:
0x8: {  	[smem:$0x3FA7] =	sst s0  }
0x9: {  	[smem:$0x3FA8] =	sst s1  }
0xa: {  	[smem:$0x3FA9] =	sst s2  }
0xb: {  	[smem:$0x3FAA] =	sst s3  }
0xc: {  	[smem:$0x3FAB] =	sst s4  }
0xd: {  	[smem:$0x3FAC] =	sst s5  }
0xe: {  	[smem:$0x3FAD] =	sst s6  }
0xf: {  	[smem:$0x3FAE] =	sst s7  }
0x10: {  	[smem:$0x3FAF] =	sst s8  }
0x11: {  	[smem:$0x3FB0] =	sst s9;
	s0 =	simm.s32 @!p0 $0x0  }
0x12: {  	s1 =	sld [smem:$0x3F96];
	s0 =	simm.s32 @p0 $0x1  }
0x13: {  	[smem:$0x3FB1] =	sst s0;
	s0 =	simm.s32 @!p1 $0x0  }
0x14: {  	s2 =	sld [smem:$0x3F95];
	s0 =	simm.s32 @p1 $0x1  }
0x15: {  	[smem:$0x3FB2] =	sst s0;
	s0 =	simm.s32 @!p2 $0x0  }
0x16: {  	s3 =	sld [smem:$0x3FDB];
	s0 =	simm.s32 @p2 $0x1  }
0x17: {  	s4 =	simm.s32 $0x1BF5;
	[smem:$0x3FB4] =	sst s0  }
0x18: {  	s0 =	sld [smem:$0x3F97];
	_ =	swait.ge [sflag:s4], $0x0  }
0x19: {  	s7 =	sld [smem:$0x3F98]  }
0x1a: {  	s8 =	sadd.s32 $0xFFFFE003, lr  }
0x1b: {  	s9 =	sadd.s32 $0xFFFFFEF7, lr;
	s5 =	simm.s32 $0xFFFFFFFF;
	p2 =	slt.u32 s8, $0xFFFFF086  }
0x1c: {  	p1 =	slt.u32 s9, $0xF7A;
	s5 =	simm.s32 @!p2 $0x0  }
0x1d: {  	s5 =	simm.s32 @p1 $0x1;
	p0 =	seq.s32 s7, s2  }
0x1e: {  	s7 =	smul.u32 @!p0 $0xF7A, s2;
	p2 =	seq.s32 @!p0 s5, $0x0  }
0x1f: {  	s9 =	smul.u32 $0xF7A, s1;
	s8 =	simm.s32 @!p0 $0x1BF5;
	p2 =	por !p2, p0  }
0x20: {  	[sflag:s8] =	ssyncset.s32 @!p0 $0xFFFFF086;
	s6 =	sadd.s32 @!p0 s3, s7;
	s7 =	simm.s32 @!p0 $0x108  }
0x21: {  	s3 =	sadd.s32 s3, s9;
	s6 =	sadd.s32 @!p0 $0x88, s6;
	s7 =	simm.s32 @p2 $0x1082  }
0x22: {  	[simem:s7], [sflag:s8] =	dma.local @!p0 [hbm:s6], $0xF7A  }
0x23: {  	s9 =	sor.u32 $0xD0000000, s2;
	s6 =	simm.s32 $0x108;
	_ =	swait.ge @!p0 [sflag:s8], $0x0  }
0x24: {  	s3 =	sadd.s32 $0x88, s3;
	s6 =	simm.s32 @!p1 $0x1082;
	[sflag:s4] =	ssyncset.s32 $0xFFFFF086  }
0x25: {  	[simem:s6], [sflag:s4] =	dma.local [hbm:s3], $0xF7A  }
0x26: {  	[smem:$0x3F98] =	sst s1;
	(tag) =	ssettag s2;
	_ =	strace s9  }
0x27: {  	s1 =	sld [smem:$0x3FA8]  }
0x28: {  	s2 =	sld [smem:$0x3FA9]  }
0x29: {  	s4 =	sld [smem:$0x3FAB]  }
0x2a: {  	p0 =	seq.s32 s5, $0x0;
	s5 =	sld [smem:$0x3FAC]  }
0x2b: {  	s6 =	sld [smem:$0x3FAD]  }
0x2c: {  	s7 =	sld [smem:$0x3FAE]  }
0x2d: {  	s3 =	simm.s32 $0x108;
	s8 =	sld [smem:$0x3FAF]  }
0x2e: {  	s3 =	simm.s32 @!p0 $0x1082;
	s9 =	sld [smem:$0x3FB0]  }
0x2f: {  	lr =	sadd.s32 s0, s3;
	s0 =	sld [smem:$0x3FA7]  }
0x30: {  	s3 =	sld [smem:$0x3FAA]  }
0x31: {  	[smem:$0x3FB3] =	sst s10  }
0x32: {  	s10 =	sld [smem:$0x3FB1];
	_ =	sdelay $0x3  }
0x33: {  	p0 =	seq.s32 s10, $0x1;
	s10 =	sld [smem:$0x3FB3];
	_ =	sdelay $0x3  }
0x34: {  	[smem:$0x3FB3] =	sst s10  }
0x35: {  	s10 =	sld [smem:$0x3FB2];
	_ =	sdelay $0x3  }
0x36: {  	p1 =	seq.s32 s10, $0x1;
	s10 =	sld [smem:$0x3FB3];
	_ =	sdelay $0x3  }
0x37: {  	[smem:$0x3FB3] =	sst s10  }
0x38: {  	s10 =	sld [smem:$0x3FB4]  }
0x39: {  	_ = 	snop;
	(pc) =	sbr.ind lr, $3  }
0x3a: {  	_ = 	snop  }
0x3b: {  	_ = 	snop  }
0x3c: {  	p2 =	seq.s32 s10, $0x1;
	s10 =	sld [smem:$0x3FB3]  }
0x3d: {  	_ =	shalt  }
0x3e: {  	_ =	shalt  }
0x3f: {  	_ =	shalt  }
0x40: {  	_ =	shalt  }
0x41: {  	_ =	shalt  }
0x42: {  	_ =	shalt  }
0x43: {  	_ =	shalt  }
0x44: {  	_ =	shalt  }
0x45: {  	_ =	shalt  }
0x46: {  	_ =	shalt  }
0x47: {  	_ =	shalt  }
0x48: {  	_ =	shalt  }
0x49: {  	_ =	shalt  }
0x4a: {  	_ =	shalt  }
0x4b: {  	_ =	shalt  }
0x4c: {  	_ =	shalt  }
0x4d: {  	_ =	shalt  }
0x4e: {  	_ =	shalt  }
0x4f: {  	_ =	shalt  }
0x50: {  	_ =	shalt  }
0x51: {  	_ =	shalt  }
0x52: {  	_ =	shalt  }
0x53: {  	_ =	shalt  }
0x54: {  	_ =	shalt  }
0x55: {  	_ =	shalt  }
0x56: {  	_ =	shalt  }
0x57: {  	_ =	shalt  }
0x58: {  	_ =	shalt  }
0x59: {  	_ =	shalt  }
0x5a: {  	_ =	shalt  }
0x5b: {  	_ =	shalt  }
0x5c: {  	_ =	shalt  }
0x5d: {  	_ =	shalt  }
0x5e: {  	_ =	shalt  }
0x5f: {  	_ =	shalt  }
0x60: {  	_ =	shalt  }
0x61: {  	_ =	shalt  }
0x62: {  	_ =	shalt  }
0x63: {  	_ =	shalt  }
0x64: {  	_ =	shalt  }
0x65: {  	_ =	shalt  }
0x66: {  	_ =	shalt  }
0x67: {  	_ =	shalt  }
0x68: {  	_ =	shalt  }
0x69: {  	_ =	shalt  }
0x6a: {  	_ =	shalt  }
0x6b: {  	_ =	shalt  }
0x6c: {  	_ =	shalt  }
0x6d: {  	_ =	shalt  }
0x6e: {  	_ =	shalt  }
0x6f: {  	_ =	shalt  }
0x70: {  	_ =	shalt  }
0x71: {  	_ =	shalt  }
0x72: {  	_ =	shalt  }
0x73: {  	_ =	shalt  }
0x74: {  	_ =	shalt  }
0x75: {  	_ =	shalt  }
0x76: {  	_ =	shalt  }
0x77: {  	_ =	shalt  }
0x78: {  	_ =	shalt  }
0x79: {  	_ =	shalt  }
0x7a: {  	_ =	shalt  }
0x7b: {  	_ =	shalt  }
0x7c: {  	_ =	shalt  }
0x7d: {  	_ =	shalt  }
0x7e: {  	_ =	shalt  }
0x7f: {  	_ =	shalt  }
0x80: {  	_ =	shalt  }
0x81: {  	_ =	shalt  }
0x82: {  	_ =	shalt  }
0x83: {  	_ =	shalt  }
0x84: {  	_ =	shalt  }
0x85: {  	_ =	shalt  }
0x86: {  	_ =	shalt  }
0x87: {  	_ =	shalt  }
.Lfunc_end0:
.L_simem_size_0:
called_computation.1_lowered:
.L_overlay_start_0:
0x88: {  	s2 =	sld [smem:$0x3FD9]  }
0x89: {  	s3 =	sld [smem:$0x3FFE];
	_ =	sdelay $0x1  }
0x8a: {  	s1 =	srdreg.scid  }
0x8b: {  	s0 =	sand.u32 $0x1, s1  }
0x8c: {  	s17 =	sshll.u32 s0, $0xA;
	s2 =	sadd.s32 s3, s2  }
0x8d: {  	s2 =	sadd.s32 s2, s17  }
0x8e: {  	[smem:$0x3FBF] =	sst s2  }
0x8f: {  	_ = 	snop  }
0x90: {  	s2 =	sld [smem:$0x3FD0];
	(tm) =	ssettm $0x1  }
0x91: {  	s18 =	sld [smem:$0x3FFB];
	_ =	sdelay $0x3  }
0x92: {  	_ =	strace s18  }
0x93: {  	s3 =	sld [smem:$0x3FFC];
	_ =	sdelay $0x3  }
0x94: {  	_ =	strace s3  }
0x95: {  	s3 =	sld [smem:$0x3FFD];
	_ =	sdelay $0x3  }
0x96: {  	_ =	strace s3  }
0x97: {  	_ =	strace $0x8FFFFFFF  }
0x98: {  	s19 =	sld [smem:$0x3FDB];
	_ =	sdelay $0x1  }
0x99: {  	s4 =	simm.s32 $_scs_section_size  }
0x9a: {  	s5 =	simm.s32 $_size__tile_overlayer_lowered;
	s6 =	simm.s32 $_tile_overlayer_lowered  }
0x9b: {  	s22 =	simm.s32 $0x1BFF;
	s21 =	sshll.u32 s6, $0x1;
	s3 =	sadd.s32 s4, s19  }
0x9c: {  	s7 =	simm.s32 $0x0;
	s20 =	sshll.u32 s5, $0x1;
	s5 =	sadd.s32 s21, s3  }
0x9d: {  	[timem:s7], [sflag:s22] =	dma.local [hbm:s5], s20  }
0x9e: {  	_ =	swait.ge [sflag:s22], s20  }
0x9f: {  	s4 =	ssub.s32 $0x0, s20;
	[sflag:s22] =	ssyncset.done $0x0  }
0xa0: {  	[sflag:s22] =	ssyncadd.s32 s4;
	_ =	sdelay $0x1  }
0xa1: {  	s23 =	simm.s32 $0x1B8B  }
0xa2: {  	_ =	swait.ge [sflag:s23], $0x1  }
0xa3: {  	[sflag:s23] =	ssyncset.done $0x0  }
0xa4: {  	s25 =	simm.s32 $0x1B8E;
	s24 =	sld [smem:$0x3FFE];
	[sflag:s23] =	ssyncadd.s32 $0xFFFFFFFF  }
0xa5: {  	s26 =	simm.s32 $execute0_lowered;
	[smem:$0x3FD2] =	sst s25  }
0xa6: {  	s5 =	sshll.u32 s26, $0x1;
	_ =	strace $0x80000049;
	[dreg:$0x1] =	wrdreg $0xFFFFFFFF  }
0xa7: {  	s28 =	simm.s32 $_size_execute0_lowered;
	s3 =	sadd.s32 s3, s5;
	[dreg:$0x0] =	wrdreg $0x0  }
0xa8: {  	s5 =	sshll.u32 s28, $0x1;
	[dreg:$0x2] =	wrdreg s3  }
0xa9: {  	[dreg:$0x3] =	wrdreg s5  }
0xaa: {  	[dreg:$0x4] =	wrdreg $0xC0  }
0xab: {  	_ =	task [dreg:s7], $0x5FFFF  }
0xac: {  	[dreg:$0x1] =	wrdreg $0xFFFFFFFF  }
0xad: {  	[dreg:$0x0] =	wrdreg $0x60  }
0xae: {  	[dreg:$0x2] =	wrdreg s2  }
0xaf: {  	[dreg:$0x3] =	wrdreg s24  }
0xb0: {  	[dreg:$0x4] =	wrdreg $0x31000  }
0xb1: {  	[dreg:$0x5] =	wrdreg $0x9  }
0xb2: {  	_ =	task.clear_ibuf [dreg:s7], $0x6FFFF;
	_ =	strace $0x90000049  }
0xb3: {  	s29 =	simm.s32 $0x9;
	_ =	strace $0x8000004B  }
0xb4: {  	_ =	swait.ge [sflag:s29], $0x1  }
0xb5: {  	[sflag:s29] =	ssyncadd.s32 $0xFFFFFFFF  }
0xb6: {  	_ =	strace $0x9000004B  }
0xb7: {  	_ =	sfence  }
0xb8: {  	s30 =	sld [smem:$0x0];
	_ =	sdelay $0x2  }
0xb9: {  	s31 =	sshll.u32 s1, $0xD;
	s1 =	sshrl.u32 s1, $0x2  }
0xba: {  	s3 =	sand.u32 $0x4000, s31;
	s1 =	sadd.s32 s1, s30  }
0xbb: {  	s0 =	sor.u32 s3, s0;
	s1 =	sshll.u32 s1, $0x11  }
0xbc: {  	s0 =	sor.u32 s1, s0  }
0xbd: {  	s0 =	sadd.s32 $0x8F2B, s0  }
0xbe: {  	[sflag:s0] =	ssyncadd.remote.s32 $0x1  }
0xbf: {  	_ =	sfence.sel $0xFFFF  }
0xc0: {  	[dreg:$0x0] =	wrdreg $0xFFFFFFFF;
	(pc) =	sbr.abs _section_cstart, $3  }
0xc1: {  	[dreg:$0x1] =	wrdreg $0xFFFFFFFF  }
0xc2: {  	_ =	task.clear_ibuf [dreg:s7], $0x2FFFF;
	_ =	strace $0x9FFFFFFF  }
0xc3: {  	(tm) =	ssettm $0x7FFFFFFF  }
tec
execute0_lowered:
.L_overlay_start_1:
0x0: {  	(tag) =	ssettag $0x1  }
0x1: {  	s0 =	rddreg [dreg:$0x0]  }
0x2: {  	s5 =	rddreg [dreg:$0x1];
	s1 =	srdreg.scid  }
0x3: {  	s2 =	stileid.u32;
	s3 =	rddreg [dreg:$0x2];
	s4 =	simm.s32 $0x0  }
0x4: {  	s14 =	simm.s32 $0x80;
	s15 =	simm.s32 $0x50;
	s7 =	smul.u32 $0x4E20, s2  }
0x5: {  	s16 =	simm.s32 $0x100;
	s17 =	simm.s32 $0x1;
	s9 =	smul.u32 $0x4E000, s2  }
0x6: {  	s6 =	sand.u32 $0x1, s1;
	s1 =	rddreg [dreg:$0x3];
	s10 =	smul.u32 $0x13800, s2  }
0x7: {  	s18 =	simm.s32 $0x0;
	[smem:$0x7FF] =	sst s4;
	s8 =	smul.u32 $0x2710, s6  }
0x8: {  	s12 =	sadd.s32 $0x16600, s5;
	s26 =	smul.u32 $0x138800, s6;
	s6 =	ssub.s32 $0x2, s6  }
0x9: {  	p0 =	sne.s32 s2, $0x0;
	_ =	strace $0x8000004A;
	s28 =	sshrl.u32 s6, $0x1  }
0xa: {  	s29 =	sshrl.u32 s9, $0x2;
	s7 =	sadd.s32 s8, s7;
	s13 =	ssub.s32 s6, s28  }
0xb: {  	s30 =	sadd.s32 s10, s26;
	s8 =	sshrl.u32 s26, $0x3;
	s6 =	sadd.s32 $0x138000, s3  }
0xc: {  	s7 =	sshrl.u32 s7, $0x3;
	s31 =	sshrl.u32 s30, $0x3;
	s8 =	sadd.s32 s12, s8  }
0xd: {  	s9 =	smax.u32 s13, $0x1;
	s13 =	simm.s32 $0x2;
	s11 =	sadd.s32 s7, s5  }
0xe: {  	s5 =	sadd.s32 s29, s3;
	s7 =	sadd.s32 s12, s31;
	s8 =	sadd.s32 $0x27000, s8  }
0xf: {  	v0 =	vimm.f32 $0.0e+00;
	s12 =	simm.s32 $0x2900;
	s10 =	sadd.s32 $0xC800, s11;
	s11 =	sadd.s32 $0x2A00, s11  }
.LBB2_1:
0x10: {  	s19 =	simm.s32 $0x0;
	s20 =	simm.s32 $0x200  }
.LBB2_2:
0x11: {  	p1 =	sne.s32 s20, $0x1E00;
	[tilespmem:s19+$0x2970] =	vst v0  }
0x12: {  	[tilespmem:s19+$0x2900] =	vst v0  }
0x13: {  	[tilespmem:s19+$0x2910] =	vst v0  }
.Ltmp0:
0x14: {  	[tilespmem:s19+$0x2920] =	vst v0;
	(pc) =	sbr.rel @p1 .LBB2_2-.Ltmp0, $4  }
0x15: {  	[tilespmem:s19+$0x2930] =	vst v0  }
0x16: {  	[tilespmem:s19+$0x2940] =	vst v0  }
0x17: {  	[tilespmem:s19+$0x2950] =	vst v0  }
0x18: {  	[tilespmem:s19+$0x2960] =	vst v0;
	s19 =	sshra.s32 s20, $0x2;
	s20 =	sadd.s32 $0x200, s20  }
0x19: {  	[tilespmem:s19+$0x2970] =	vst v0  }
0x1a: {  	[tilespmem:s19+$0x2900] =	vst v0  }
0x1b: {  	[tilespmem:s19+$0x2910] =	vst v0  }
0x1c: {  	[tilespmem:s19+$0x2920] =	vst v0  }
0x1d: {  	[tilespmem:s19+$0x2930] =	vst v0  }
0x1e: {  	[tilespmem:s19+$0x2940] =	vst v0  }
0x1f: {  	[tilespmem:s19+$0x2950] =	vst v0  }
0x20: {  	[tilespmem:s19+$0x2960] =	vst v0;
	s31 =	sadd.s32 $0x0, s5  }
0x21: {  	[spmem:s31] =	stream.linear.scatter [tilespmem:s12], [sflag:$0x2], $0x800, $0x38;
	[tilespmem:$0x16980] =	vst v63  }
0x22: {  	s19 =	simm.s32 $0x2000;
	_ =	swait.ge [sflag:s13], $0x800  }
.LBB2_4:
0x23: {  	s20 =	sshra.s32 s19, $0x2;
	[sflag:s13] =	ssyncset.done $0x0;
	p1 =	sne.s32 s19, $0x4C000  }
.Ltmp1:
0x24: {  	s20 =	sadd.s32 s20, s5;
	[sflag:s13] =	ssyncadd.s32 $0xFFFFF800;
	(pc) =	sbr.rel @p1 .LBB2_4-.Ltmp1, $3  }
0x25: {  	[spmem:s20] =	stream.linear.scatter [tilespmem:s12], [sflag:$0x2], $0x800, $0x38;
	[tilespmem:$0x16980] =	vst v63  }
0x26: {  	s19 =	sadd.s32 $0x2000, s19;
	_ =	sdelay $0x1  }
0x27: {  	_ =	swait.ge [sflag:s13], $0x800  }
0x28: {  	[sflag:s13] =	ssyncset.done $0x0  }
0x29: {  	s19 =	simm.s32 @!p0 $0x2900;
	[sflag:s13] =	ssyncadd.s32 $0xFFFFF800  }
0x2a: {  	[spmem:s6] =	stream.linear.scatter @!p0 [tilespmem:s19], [sflag:$0x2], $0x800, $0x38;
	[tilespmem:$0x16980] =	vst v63  }
0x2b: {  	s19 =	simm.s32 @!p0 $0x2  }
0x2c: {  	_ =	swait.ge @!p0 [sflag:s19], $0x800  }
0x2d: {  	[sflag:s19] =	ssyncset.done @!p0 $0x0  }
0x2e: {  	[sflag:s19] =	ssyncadd.s32 @!p0 $0xFFFFF800  }
0x2f: {  	s30 =	sadd.s32 $0x0, s11;
	[bflag:$0x0] =	sbarrier.arrive $0xFFFF  }
0x30: {  	[tilespmem:s4], [sflag:$0x2] =	stream.linear.gather [hbm4b:s30+s4], $0x50, $0x38;
	[tilespmem:$0x16980] =	vst v63  }
0x31: {  	_ =	swait.ge [sflag:s13], $0x50  }
0x32: {  	[sflag:s13] =	ssyncset.done $0x0  }
0x33: {  	s31 =	sadd.s32 $0x0, s10;
	[sflag:s13] =	ssyncadd.s32 $0xFFFFFFB0  }
0x34: {  	[tilespmem:s14], [sflag:$0x2] =	stream.linear.gather [hbm4b:s31+s4], $0x50, $0x38;
	[tilespmem:$0x16980] =	vst v63  }
0x35: {  	_ =	swait.ge [sflag:s13], $0x50  }
0x36: {  	[sflag:s13] =	ssyncset.done $0x0  }
0x37: {  	[sflag:s13] =	ssyncadd.s32 $0xFFFFFFB0  }
0x38: {  	[tilespmem:s16], [sflag:$0x1] =	stream.indirect.gather [hbm4b:s0+s15], $0x80, s4, s15, $0xb8;
	[tilespmem:$0x16980] =	vst v63  }
0x39: {  	_ =	swait.ge [sflag:s17], $0x2800  }
0x3a: {  	[sflag:s17] =	ssyncset.done $0x0  }
0x3b: {  	[sflag:s17] =	ssyncadd.s32 $0xFFFFD800  }
0x3c: {  	[spmem:s3] =	stream.indirect.scatter.add.f32 [tilespmem:s16], [sflag:$0x2], $0x80, s14, s15, $0xb8;
	[tilespmem:$0x16980] =	vst v63  }
0x3d: {  	_ =	swait.ge [sflag:s13], $0x2800  }
0x3e: {  	s20 =	simm.s32 $0x14;
	s19 =	simm.s32 $0xA;
	[sflag:s13] =	ssyncset.done $0x0  }
.LBB2_6:
0x3f: {  	s21 =	sadd.s32 s19, s11  }
0x40: {  	[sflag:s13] =	ssyncadd.s32 $0xFFFFD800;
	s22 =	smov.u32 s20;
	s23 =	sadd.s32 $0xA, s20  }
0x41: {  	[tilespmem:s4], [sflag:$0x2] =	stream.linear.gather [hbm4b:s21+s4], $0x50, $0x38;
	[tilespmem:$0x16980] =	vst v63  }
0x42: {  	p1 =	sne.s32 s20, $0x4D8;
	_ =	swait.ge [sflag:s13], $0x50  }
0x43: {  	[sflag:s13] =	ssyncset.done $0x0  }
0x44: {  	s20 =	sadd.s32 s19, s10;
	s19 =	smov.u32 s22;
	[sflag:s13] =	ssyncadd.s32 $0xFFFFFFB0  }
0x45: {  	[tilespmem:s14], [sflag:$0x2] =	stream.linear.gather [hbm4b:s20+s4], $0x50, $0x38;
	[tilespmem:$0x16980] =	vst v63  }
0x46: {  	_ =	swait.ge [sflag:s13], $0x50  }
0x47: {  	[sflag:s13] =	ssyncset.done $0x0  }
0x48: {  	[sflag:s13] =	ssyncadd.s32 $0xFFFFFFB0  }
0x49: {  	[tilespmem:s16], [sflag:$0x1] =	stream.indirect.gather [hbm4b:s0+s15], $0x80, s4, s15, $0xb8;
	[tilespmem:$0x16980] =	vst v63  }
0x4a: {  	_ =	swait.ge [sflag:s17], $0x2800  }
.Ltmp2:
0x4b: {  	[sflag:s17] =	ssyncset.done $0x0;
	(pc) =	sbr.rel @p1 .LBB2_6-.Ltmp2, $4  }
0x4c: {  	[sflag:s17] =	ssyncadd.s32 $0xFFFFD800  }
0x4d: {  	[spmem:s3] =	stream.indirect.scatter.add.f32 [tilespmem:s16], [sflag:$0x2], $0x80, s14, s15, $0xb8;
	[tilespmem:$0x16980] =	vst v63  }
0x4e: {  	_ =	swait.ge [sflag:s13], $0x2800  }
0x4f: {  	s20 =	smov.u32 s23;
	[sflag:s13] =	ssyncset.done $0x0  }
0x50: {  	s20 =	sadd.s32 s19, s11;
	[sflag:s13] =	ssyncadd.s32 $0xFFFFD800  }
0x51: {  	[tilespmem:s4], [sflag:$0x2] =	stream.linear.gather [hbm4b:s20+s4], $0x50, $0x38;
	[tilespmem:$0x16980] =	vst v63  }
0x52: {  	_ =	swait.ge [sflag:s13], $0x50  }
0x53: {  	[sflag:s13] =	ssyncset.done $0x0  }
0x54: {  	s29 =	sadd.s32 s19, s10;
	[sflag:s13] =	ssyncadd.s32 $0xFFFFFFB0  }
0x55: {  	[tilespmem:s14], [sflag:$0x2] =	stream.linear.gather [hbm4b:s29+s4], $0x50, $0x38;
	[tilespmem:$0x16980] =	vst v63  }
0x56: {  	_ =	swait.ge [sflag:s13], $0x50  }
0x57: {  	[sflag:s13] =	ssyncset.done $0x0  }
0x58: {  	[sflag:s13] =	ssyncadd.s32 $0xFFFFFFB0  }
0x59: {  	[tilespmem:s16], [sflag:$0x1] =	stream.indirect.gather [hbm4b:s0+s15], $0x80, s4, s15, $0xb8;
	[tilespmem:$0x16980] =	vst v63  }
0x5a: {  	_ =	swait.ge [sflag:s17], $0x2800  }
0x5b: {  	[sflag:s17] =	ssyncset.done $0x0  }
0x5c: {  	[sflag:s17] =	ssyncadd.s32 $0xFFFFD800  }
0x5d: {  	[spmem:s3] =	stream.indirect.scatter.add.f32 [tilespmem:s16], [sflag:$0x2], $0x80, s14, s15, $0xb8;
	[tilespmem:$0x16980] =	vst v63  }
0x5e: {  	_ =	swait.ge [sflag:s13], $0x2800  }
0x5f: {  	[sflag:s13] =	ssyncset.done $0x0  }
0x60: {  	s30 =	sshll.u32 s2, $0x6;
	[sflag:s13] =	ssyncadd.s32 $0xFFFFD800  }
0x61: {  	s31 =	sshrl.u32 s5, $0x3;
	s19 =	sor.u32 $0x1C02, s30;
	[bflag:$0x0] =	sbarrier.arrive $0xFFFF  }
0x62: {  	[hbm:s7], [sflag:s19] =	dma.local [spmem:s31], $0x2700  }
0x63: {  	_ =	swait.ge [sflag:s13], $0x2700  }
0x64: {  	s18 =	sadd.s32 $0x1, s18;
	[sflag:s13] =	ssyncset.done $0x0  }
0x65: {  	s20 =	sshrl.u32 @!p0 s6, $0x3;
	p1 =	sne.s32 s18, s9;
	[sflag:s13] =	ssyncadd.s32 $0xFFFFD900  }
0x66: {  	[hbm:s8], [sflag:s19] =	dma.local @!p0 [spmem:s20], $0x100  }
.Ltmp3:
0x67: {  	_ = 	snop;
	(pc) =	sbr.rel @p1 .LBB2_1-.Ltmp3, $4  }
0x68: {  	s19 =	simm.s32 @!p0 $0x2  }
0x69: {  	_ =	swait.ge @!p0 [sflag:s19], $0x100  }
0x6a: {  	[sflag:s19] =	ssyncset.done @!p0 $0x0  }
0x6b: {  	[sflag:s19] =	ssyncadd.s32 @!p0 $0xFFFFFF00  }
0x6c: {  	_ =	sfence.sel $0x180000  }
0x6d: {  	[bflag:$0x0] =	sbarrier.arrive $0xFFFF  }
0x6e: {  	_ =	strace $0x9000004A  }
0x6f: {  	s0 =	sadd.s32 @!p0 $0x100000, s1;
	[bflag:$0x2] =	sbarrier.arrive $0xFFFF  }
0x70: {  	[sflag:s0] =	ssyncadd.tile.s32 @!p0 $0x1;
	_ =	shalt  }
.Lfunc_end2:
_tile_overlayer_lowered:
.L_overlay_start_2:
0x71: {  	(tag) =	ssettag $0x2  }
0x72: {  	s0 =	rddreg [dreg:$0x0];
	s2 =	stileid.u32  }
0x73: {  	s1 =	rddreg [dreg:$0x1];
	p0 =	sne.s32 s2, $0x0  }
0x74: {  	s3 =	rddreg [dreg:$0x2];
	[bflag:$0x3] =	sbarrier.arrive $0xFFFF;
	s2 =	simm.s32 @!p0 $0x1C02  }
0x75: {  	[timem:s3], [sflag:s2] =	dma.local @!p0 [hbm:s0], s1  }
0x76: {  	s0 =	simm.s32 @!p0 $0x2  }
0x77: {  	_ =	swait.ge @!p0 [sflag:s0], s1  }
0x78: {  	s1 =	ssub.s32 @!p0 $0x0, s1;
	[sflag:s0] =	ssyncset.done @!p0 $0x0  }
0x79: {  	[sflag:s0] =	ssyncadd.s32 @!p0 s1  }
0x7a: {  	[bflag:$0x3] =	sbarrier.arrive $0xFFFF  }
0x7b: {  	_ =	shalt  }

// kernel: kernel.14.cloned.1.call-start
scs
__scs_entry_jumppad:
0x0: {  	(pc) =	sbr.rel $0x88, $3  }
0x1: {  	(tag) =	ssettag $0x0;
	lr =	simm.s32 $0x1  }
0x2: {  	[smem:$0x3F98] =	sst lr;
	_ =	strace $0xD0000000  }
0x3: {  	_ = 	snop  }
0x4: {  	_ = 	snop  }
0x5: {  	_ = 	snop  }
0x6: {  	_ = 	snop  }
0x7: {  	_ = 	snop  }
__scs_overlays_trampoline_lowered:
0x8: {  	[smem:$0x3FA7] =	sst s0  }
0x9: {  	[smem:$0x3FA8] =	sst s1  }
0xa: {  	[smem:$0x3FA9] =	sst s2  }
0xb: {  	[smem:$0x3FAA] =	sst s3  }
0xc: {  	[smem:$0x3FAB] =	sst s4  }
0xd: {  	[smem:$0x3FAC] =	sst s5  }
0xe: {  	[smem:$0x3FAD] =	sst s6  }
0xf: {  	[smem:$0x3FAE] =	sst s7  }
0x10: {  	[smem:$0x3FAF] =	sst s8  }
0x11: {  	[smem:$0x3FB0] =	sst s9;
	s0 =	simm.s32 @!p0 $0x0  }
0x12: {  	s1 =	sld [smem:$0x3F96];
	s0 =	simm.s32 @p0 $0x1  }
0x13: {  	[smem:$0x3FB1] =	sst s0;
	s0 =	simm.s32 @!p1 $0x0  }
0x14: {  	s2 =	sld [smem:$0x3F95];
	s0 =	simm.s32 @p1 $0x1  }
0x15: {  	[smem:$0x3FB2] =	sst s0;
	s0 =	simm.s32 @!p2 $0x0  }
0x16: {  	s3 =	sld [smem:$0x3FDB];
	s0 =	simm.s32 @p2 $0x1  }
0x17: {  	s4 =	simm.s32 $0x1BF5;
	[smem:$0x3FB4] =	sst s0  }
0x18: {  	s0 =	sld [smem:$0x3F97];
	_ =	swait.ge [sflag:s4], $0x0  }
0x19: {  	s7 =	sld [smem:$0x3F98]  }
0x1a: {  	s8 =	sadd.s32 $0xFFFFE003, lr  }
0x1b: {  	s9 =	sadd.s32 $0xFFFFFEF7, lr;
	s5 =	simm.s32 $0xFFFFFFFF;
	p2 =	slt.u32 s8, $0xFFFFF086  }
0x1c: {  	p1 =	slt.u32 s9, $0xF7A;
	s5 =	simm.s32 @!p2 $0x0  }
0x1d: {  	s5 =	simm.s32 @p1 $0x1;
	p0 =	seq.s32 s7, s2  }
0x1e: {  	s7 =	smul.u32 @!p0 $0xF7A, s2;
	p2 =	seq.s32 @!p0 s5, $0x0  }
0x1f: {  	s9 =	smul.u32 $0xF7A, s1;
	s8 =	simm.s32 @!p0 $0x1BF5;
	p2 =	por !p2, p0  }
0x20: {  	[sflag:s8] =	ssyncset.s32 @!p0 $0xFFFFF086;
	s6 =	sadd.s32 @!p0 s3, s7;
	s7 =	simm.s32 @!p0 $0x108  }
0x21: {  	s3 =	sadd.s32 s3, s9;
	s6 =	sadd.s32 @!p0 $0x88, s6;
	s7 =	simm.s32 @p2 $0x1082  }
0x22: {  	[simem:s7], [sflag:s8] =	dma.local @!p0 [hbm:s6], $0xF7A  }
0x23: {  	s9 =	sor.u32 $0xD0000000, s2;
	s6 =	simm.s32 $0x108;
	_ =	swait.ge @!p0 [sflag:s8], $0x0  }
0x24: {  	s3 =	sadd.s32 $0x88, s3;
	s6 =	simm.s32 @!p1 $0x1082;
	[sflag:s4] =	ssyncset.s32 $0xFFFFF086  }
0x25: {  	[simem:s6], [sflag:s4] =	dma.local [hbm:s3], $0xF7A  }
0x26: {  	[smem:$0x3F98] =	sst s1;
	(tag) =	ssettag s2;
	_ =	strace s9  }
0x27: {  	s1 =	sld [smem:$0x3FA8]  }
0x28: {  	s2 =	sld [smem:$0x3FA9]  }
0x29: {  	s4 =	sld [smem:$0x3FAB]  }
0x2a: {  	p0 =	seq.s32 s5, $0x0;
	s5 =	sld [smem:$0x3FAC]  }
0x2b: {  	s6 =	sld [smem:$0x3FAD]  }
0x2c: {  	s7 =	sld [smem:$0x3FAE]  }
0x2d: {  	s3 =	simm.s32 $0x108;
	s8 =	sld [smem:$0x3FAF]  }
0x2e: {  	s3 =	simm.s32 @!p0 $0x1082;
	s9 =	sld [smem:$0x3FB0]  }
0x2f: {  	lr =	sadd.s32 s0, s3;
	s0 =	sld [smem:$0x3FA7]  }
0x30: {  	s3 =	sld [smem:$0x3FAA]  }
0x31: {  	[smem:$0x3FB3] =	sst s10  }
0x32: {  	s10 =	sld [smem:$0x3FB1];
	_ =	sdelay $0x3  }
0x33: {  	p0 =	seq.s32 s10, $0x1;
	s10 =	sld [smem:$0x3FB3];
	_ =	sdelay $0x3  }
0x34: {  	[smem:$0x3FB3] =	sst s10  }
0x35: {  	s10 =	sld [smem:$0x3FB2];
	_ =	sdelay $0x3  }
0x36: {  	p1 =	seq.s32 s10, $0x1;
	s10 =	sld [smem:$0x3FB3];
	_ =	sdelay $0x3  }
0x37: {  	[smem:$0x3FB3] =	sst s10  }
0x38: {  	s10 =	sld [smem:$0x3FB4]  }
0x39: {  	_ = 	snop;
	(pc) =	sbr.ind lr, $3  }
0x3a: {  	_ = 	snop  }
0x3b: {  	_ = 	snop  }
0x3c: {  	p2 =	seq.s32 s10, $0x1;
	s10 =	sld [smem:$0x3FB3]  }
0x3d: {  	_ =	shalt  }
0x3e: {  	_ =	shalt  }
0x3f: {  	_ =	shalt  }
0x40: {  	_ =	shalt  }
0x41: {  	_ =	shalt  }
0x42: {  	_ =	shalt  }
0x43: {  	_ =	shalt  }
0x44: {  	_ =	shalt  }
0x45: {  	_ =	shalt  }
0x46: {  	_ =	shalt  }
0x47: {  	_ =	shalt  }
0x48: {  	_ =	shalt  }
0x49: {  	_ =	shalt  }
0x4a: {  	_ =	shalt  }
0x4b: {  	_ =	shalt  }
0x4c: {  	_ =	shalt  }
0x4d: {  	_ =	shalt  }
0x4e: {  	_ =	shalt  }
0x4f: {  	_ =	shalt  }
0x50: {  	_ =	shalt  }
0x51: {  	_ =	shalt  }
0x52: {  	_ =	shalt  }
0x53: {  	_ =	shalt  }
0x54: {  	_ =	shalt  }
0x55: {  	_ =	shalt  }
0x56: {  	_ =	shalt  }
0x57: {  	_ =	shalt  }
0x58: {  	_ =	shalt  }
0x59: {  	_ =	shalt  }
0x5a: {  	_ =	shalt  }
0x5b: {  	_ =	shalt  }
0x5c: {  	_ =	shalt  }
0x5d: {  	_ =	shalt  }
0x5e: {  	_ =	shalt  }
0x5f: {  	_ =	shalt  }
0x60: {  	_ =	shalt  }
0x61: {  	_ =	shalt  }
0x62: {  	_ =	shalt  }
0x63: {  	_ =	shalt  }
0x64: {  	_ =	shalt  }
0x65: {  	_ =	shalt  }
0x66: {  	_ =	shalt  }
0x67: {  	_ =	shalt  }
0x68: {  	_ =	shalt  }
0x69: {  	_ =	shalt  }
0x6a: {  	_ =	shalt  }
0x6b: {  	_ =	shalt  }
0x6c: {  	_ =	shalt  }
0x6d: {  	_ =	shalt  }
0x6e: {  	_ =	shalt  }
0x6f: {  	_ =	shalt  }
0x70: {  	_ =	shalt  }
0x71: {  	_ =	shalt  }
0x72: {  	_ =	shalt  }
0x73: {  	_ =	shalt  }
0x74: {  	_ =	shalt  }
0x75: {  	_ =	shalt  }
0x76: {  	_ =	shalt  }
0x77: {  	_ =	shalt  }
0x78: {  	_ =	shalt  }
0x79: {  	_ =	shalt  }
0x7a: {  	_ =	shalt  }
0x7b: {  	_ =	shalt  }
0x7c: {  	_ =	shalt  }
0x7d: {  	_ =	shalt  }
0x7e: {  	_ =	shalt  }
0x7f: {  	_ =	shalt  }
0x80: {  	_ =	shalt  }
0x81: {  	_ =	shalt  }
0x82: {  	_ =	shalt  }
0x83: {  	_ =	shalt  }
0x84: {  	_ =	shalt  }
0x85: {  	_ =	shalt  }
0x86: {  	_ =	shalt  }
0x87: {  	_ =	shalt  }
.Lfunc_end0:
.L_simem_size_0:
called_computation.2_lowered:
.L_overlay_start_0:
0x88: {  	s2 =	sld [smem:$0x3FD9]  }
0x89: {  	s3 =	sld [smem:$0x3FFE];
	_ =	sdelay $0x1  }
0x8a: {  	s1 =	srdreg.scid  }
0x8b: {  	s0 =	sand.u32 $0x1, s1  }
0x8c: {  	s17 =	sshll.u32 s0, $0xA;
	s2 =	sadd.s32 s3, s2  }
0x8d: {  	s2 =	sadd.s32 s2, s17  }
0x8e: {  	[smem:$0x3FBF] =	sst s2  }
0x8f: {  	_ = 	snop  }
0x90: {  	s2 =	sld [smem:$0x3FD0];
	(tm) =	ssettm $0x1  }
0x91: {  	s18 =	sld [smem:$0x3FFB];
	_ =	sdelay $0x3  }
0x92: {  	_ =	strace s18  }
0x93: {  	s3 =	sld [smem:$0x3FFC];
	_ =	sdelay $0x3  }
0x94: {  	_ =	strace s3  }
0x95: {  	s3 =	sld [smem:$0x3FFD];
	_ =	sdelay $0x3  }
0x96: {  	_ =	strace s3  }
0x97: {  	_ =	strace $0x8FFFFFFF  }
0x98: {  	s19 =	sld [smem:$0x3FDB];
	_ =	sdelay $0x1  }
0x99: {  	s4 =	simm.s32 $_scs_section_size  }
0x9a: {  	s5 =	simm.s32 $_size__tile_overlayer_lowered;
	s6 =	simm.s32 $_tile_overlayer_lowered  }
0x9b: {  	s22 =	simm.s32 $0x1BFF;
	s21 =	sshll.u32 s6, $0x1;
	s3 =	sadd.s32 s4, s19  }
0x9c: {  	s7 =	simm.s32 $0x0;
	s20 =	sshll.u32 s5, $0x1;
	s5 =	sadd.s32 s21, s3  }
0x9d: {  	[timem:s7], [sflag:s22] =	dma.local [hbm:s5], s20  }
0x9e: {  	_ =	swait.ge [sflag:s22], s20  }
0x9f: {  	s4 =	ssub.s32 $0x0, s20;
	[sflag:s22] =	ssyncset.done $0x0  }
0xa0: {  	[sflag:s22] =	ssyncadd.s32 s4;
	_ =	sdelay $0x1  }
0xa1: {  	s23 =	simm.s32 $0x1B8B  }
0xa2: {  	_ =	swait.ge [sflag:s23], $0x1  }
0xa3: {  	[sflag:s23] =	ssyncset.done $0x0  }
0xa4: {  	s25 =	simm.s32 $0x1B8E;
	s24 =	sld [smem:$0x3FFE];
	[sflag:s23] =	ssyncadd.s32 $0xFFFFFFFF  }
0xa5: {  	s26 =	simm.s32 $execute0_lowered;
	[smem:$0x3FD2] =	sst s25  }
0xa6: {  	s5 =	sshll.u32 s26, $0x1;
	_ =	strace $0x8000004C;
	[dreg:$0x1] =	wrdreg $0xFFFFFFFF  }
0xa7: {  	s28 =	simm.s32 $_size_execute0_lowered;
	s3 =	sadd.s32 s3, s5;
	[dreg:$0x0] =	wrdreg $0x0  }
0xa8: {  	s5 =	sshll.u32 s28, $0x1;
	[dreg:$0x2] =	wrdreg s3  }
0xa9: {  	[dreg:$0x3] =	wrdreg s5  }
0xaa: {  	[dreg:$0x4] =	wrdreg $0xC0  }
0xab: {  	_ =	task [dreg:s7], $0x5FFFF  }
0xac: {  	[dreg:$0x1] =	wrdreg $0xFFFFFFFF  }
0xad: {  	[dreg:$0x0] =	wrdreg $0x60  }
0xae: {  	[dreg:$0x2] =	wrdreg s2  }
0xaf: {  	[dreg:$0x3] =	wrdreg s24  }
0xb0: {  	[dreg:$0x4] =	wrdreg $0x31000  }
0xb1: {  	[dreg:$0x5] =	wrdreg $0x9  }
0xb2: {  	_ =	task.clear_ibuf [dreg:s7], $0x6FFFF;
	_ =	strace $0x9000004C  }
0xb3: {  	s29 =	simm.s32 $0x9;
	_ =	strace $0x8000004E  }
0xb4: {  	_ =	swait.ge [sflag:s29], $0x1  }
0xb5: {  	[sflag:s29] =	ssyncadd.s32 $0xFFFFFFFF  }
0xb6: {  	_ =	strace $0x9000004E  }
0xb7: {  	_ =	sfence  }
0xb8: {  	s30 =	sld [smem:$0x0];
	_ =	sdelay $0x2  }
0xb9: {  	s31 =	sshll.u32 s1, $0xD;
	s1 =	sshrl.u32 s1, $0x2  }
0xba: {  	s3 =	sand.u32 $0x4000, s31;
	s1 =	sadd.s32 s1, s30  }
0xbb: {  	s0 =	sor.u32 s3, s0;
	s1 =	sshll.u32 s1, $0x11  }
0xbc: {  	s0 =	sor.u32 s1, s0  }
0xbd: {  	s0 =	sadd.s32 $0x8F2B, s0  }
0xbe: {  	[sflag:s0] =	ssyncadd.remote.s32 $0x1  }
0xbf: {  	_ =	sfence.sel $0xFFFF  }
0xc0: {  	[dreg:$0x0] =	wrdreg $0xFFFFFFFF;
	(pc) =	sbr.abs _section_cstart, $3  }
0xc1: {  	[dreg:$0x1] =	wrdreg $0xFFFFFFFF  }
0xc2: {  	_ =	task.clear_ibuf [dreg:s7], $0x2FFFF;
	_ =	strace $0x9FFFFFFF  }
0xc3: {  	(tm) =	ssettm $0x7FFFFFFF  }
tec
execute0_lowered:
.L_overlay_start_1:
0x0: {  	(tag) =	ssettag $0x1  }
0x1: {  	s0 =	rddreg [dreg:$0x0]  }
0x2: {  	s5 =	rddreg [dreg:$0x1];
	s1 =	srdreg.scid  }
0x3: {  	s2 =	stileid.u32;
	s3 =	rddreg [dreg:$0x2];
	s4 =	simm.s32 $0x0  }
0x4: {  	s14 =	simm.s32 $0x80;
	s15 =	simm.s32 $0x50;
	s7 =	smul.u32 $0x4E20, s2  }
0x5: {  	s16 =	simm.s32 $0x100;
	s17 =	simm.s32 $0x1;
	s9 =	smul.u32 $0x4E000, s2  }
0x6: {  	s6 =	sand.u32 $0x1, s1;
	s1 =	rddreg [dreg:$0x3];
	s10 =	smul.u32 $0x13800, s2  }
0x7: {  	s18 =	simm.s32 $0x0;
	[smem:$0x7FF] =	sst s4;
	s8 =	smul.u32 $0x2710, s6  }
0x8: {  	s12 =	sadd.s32 $0x16600, s5;
	s26 =	smul.u32 $0x138800, s6;
	s6 =	ssub.s32 $0x2, s6  }
0x9: {  	p0 =	sne.s32 s2, $0x0;
	_ =	strace $0x8000004D;
	s28 =	sshrl.u32 s6, $0x1  }
0xa: {  	s29 =	sshrl.u32 s9, $0x2;
	s7 =	sadd.s32 s8, s7;
	s13 =	ssub.s32 s6, s28  }
0xb: {  	s30 =	sadd.s32 s10, s26;
	s8 =	sshrl.u32 s26, $0x3;
	s6 =	sadd.s32 $0x138000, s3  }
0xc: {  	s7 =	sshrl.u32 s7, $0x3;
	s31 =	sshrl.u32 s30, $0x3;
	s8 =	sadd.s32 s12, s8  }
0xd: {  	s9 =	smax.u32 s13, $0x1;
	s13 =	simm.s32 $0x2;
	s11 =	sadd.s32 s7, s5  }
0xe: {  	s5 =	sadd.s32 s29, s3;
	s7 =	sadd.s32 s12, s31;
	s8 =	sadd.s32 $0x27000, s8  }
0xf: {  	v0 =	vimm.f32 $0.0e+00;
	s12 =	simm.s32 $0x2900;
	s10 =	sadd.s32 $0xC800, s11;
	s11 =	sadd.s32 $0x2A00, s11  }
.LBB2_1:
0x10: {  	s19 =	simm.s32 $0x0;
	s20 =	simm.s32 $0x200  }
.LBB2_2:
0x11: {  	p1 =	sne.s32 s20, $0x1E00;
	[tilespmem:s19+$0x2970] =	vst v0  }
0x12: {  	[tilespmem:s19+$0x2900] =	vst v0  }
0x13: {  	[tilespmem:s19+$0x2910] =	vst v0  }
.Ltmp0:
0x14: {  	[tilespmem:s19+$0x2920] =	vst v0;
	(pc) =	sbr.rel @p1 .LBB2_2-.Ltmp0, $4  }
0x15: {  	[tilespmem:s19+$0x2930] =	vst v0  }
0x16: {  	[tilespmem:s19+$0x2940] =	vst v0  }
0x17: {  	[tilespmem:s19+$0x2950] =	vst v0  }
0x18: {  	[tilespmem:s19+$0x2960] =	vst v0;
	s19 =	sshra.s32 s20, $0x2;
	s20 =	sadd.s32 $0x200, s20  }
0x19: {  	[tilespmem:s19+$0x2970] =	vst v0  }
0x1a: {  	[tilespmem:s19+$0x2900] =	vst v0  }
0x1b: {  	[tilespmem:s19+$0x2910] =	vst v0  }
0x1c: {  	[tilespmem:s19+$0x2920] =	vst v0  }
0x1d: {  	[tilespmem:s19+$0x2930] =	vst v0  }
0x1e: {  	[tilespmem:s19+$0x2940] =	vst v0  }
0x1f: {  	[tilespmem:s19+$0x2950] =	vst v0  }
0x20: {  	[tilespmem:s19+$0x2960] =	vst v0;
	s31 =	sadd.s32 $0x0, s5  }
0x21: {  	[spmem:s31] =	stream.linear.scatter [tilespmem:s12], [sflag:$0x2], $0x800, $0x38;
	[tilespmem:$0x16980] =	vst v63  }
0x22: {  	s19 =	simm.s32 $0x2000;
	_ =	swait.ge [sflag:s13], $0x800  }
.LBB2_4:
0x23: {  	s20 =	sshra.s32 s19, $0x2;
	[sflag:s13] =	ssyncset.done $0x0;
	p1 =	sne.s32 s19, $0x4C000  }
.Ltmp1:
0x24: {  	s20 =	sadd.s32 s20, s5;
	[sflag:s13] =	ssyncadd.s32 $0xFFFFF800;
	(pc) =	sbr.rel @p1 .LBB2_4-.Ltmp1, $3  }
0x25: {  	[spmem:s20] =	stream.linear.scatter [tilespmem:s12], [sflag:$0x2], $0x800, $0x38;
	[tilespmem:$0x16980] =	vst v63  }
0x26: {  	s19 =	sadd.s32 $0x2000, s19;
	_ =	sdelay $0x1  }
0x27: {  	_ =	swait.ge [sflag:s13], $0x800  }
0x28: {  	[sflag:s13] =	ssyncset.done $0x0  }
0x29: {  	s19 =	simm.s32 @!p0 $0x2900;
	[sflag:s13] =	ssyncadd.s32 $0xFFFFF800  }
0x2a: {  	[spmem:s6] =	stream.linear.scatter @!p0 [tilespmem:s19], [sflag:$0x2], $0x800, $0x38;
	[tilespmem:$0x16980] =	vst v63  }
0x2b: {  	s19 =	simm.s32 @!p0 $0x2  }
0x2c: {  	_ =	swait.ge @!p0 [sflag:s19], $0x800  }
0x2d: {  	[sflag:s19] =	ssyncset.done @!p0 $0x0  }
0x2e: {  	[sflag:s19] =	ssyncadd.s32 @!p0 $0xFFFFF800  }
0x2f: {  	s30 =	sadd.s32 $0x0, s11;
	[bflag:$0x0] =	sbarrier.arrive $0xFFFF  }
0x30: {  	[tilespmem:s4], [sflag:$0x2] =	stream.linear.gather [hbm4b:s30+s4], $0x50, $0x38;
	[tilespmem:$0x16980] =	vst v63  }
0x31: {  	_ =	swait.ge [sflag:s13], $0x50  }
0x32: {  	[sflag:s13] =	ssyncset.done $0x0  }
0x33: {  	s31 =	sadd.s32 $0x0, s10;
	[sflag:s13] =	ssyncadd.s32 $0xFFFFFFB0  }
0x34: {  	[tilespmem:s14], [sflag:$0x2] =	stream.linear.gather [hbm4b:s31+s4], $0x50, $0x38;
	[tilespmem:$0x16980] =	vst v63  }
0x35: {  	_ =	swait.ge [sflag:s13], $0x50  }
0x36: {  	[sflag:s13] =	ssyncset.done $0x0  }
0x37: {  	[sflag:s13] =	ssyncadd.s32 $0xFFFFFFB0  }
0x38: {  	[tilespmem:s16], [sflag:$0x1] =	stream.indirect.gather [hbm4b:s0+s15], $0x80, s4, s15, $0xb8;
	[tilespmem:$0x16980] =	vst v63  }
0x39: {  	_ =	swait.ge [sflag:s17], $0x2800  }
0x3a: {  	[sflag:s17] =	ssyncset.done $0x0  }
0x3b: {  	[sflag:s17] =	ssyncadd.s32 $0xFFFFD800  }
0x3c: {  	[spmem:s3] =	stream.indirect.scatter.add.f32 [tilespmem:s16], [sflag:$0x2], $0x80, s14, s15, $0xb8;
	[tilespmem:$0x16980] =	vst v63  }
0x3d: {  	_ =	swait.ge [sflag:s13], $0x2800  }
0x3e: {  	s20 =	simm.s32 $0x14;
	s19 =	simm.s32 $0xA;
	[sflag:s13] =	ssyncset.done $0x0  }
.LBB2_6:
0x3f: {  	s21 =	sadd.s32 s19, s11  }
0x40: {  	[sflag:s13] =	ssyncadd.s32 $0xFFFFD800;
	s22 =	smov.u32 s20;
	s23 =	sadd.s32 $0xA, s20  }
0x41: {  	[tilespmem:s4], [sflag:$0x2] =	stream.linear.gather [hbm4b:s21+s4], $0x50, $0x38;
	[tilespmem:$0x16980] =	vst v63  }
0x42: {  	p1 =	sne.s32 s20, $0x4D8;
	_ =	swait.ge [sflag:s13], $0x50  }
0x43: {  	[sflag:s13] =	ssyncset.done $0x0  }
0x44: {  	s20 =	sadd.s32 s19, s10;
	s19 =	smov.u32 s22;
	[sflag:s13] =	ssyncadd.s32 $0xFFFFFFB0  }
0x45: {  	[tilespmem:s14], [sflag:$0x2] =	stream.linear.gather [hbm4b:s20+s4], $0x50, $0x38;
	[tilespmem:$0x16980] =	vst v63  }
0x46: {  	_ =	swait.ge [sflag:s13], $0x50  }
0x47: {  	[sflag:s13] =	ssyncset.done $0x0  }
0x48: {  	[sflag:s13] =	ssyncadd.s32 $0xFFFFFFB0  }
0x49: {  	[tilespmem:s16], [sflag:$0x1] =	stream.indirect.gather [hbm4b:s0+s15], $0x80, s4, s15, $0xb8;
	[tilespmem:$0x16980] =	vst v63  }
0x4a: {  	_ =	swait.ge [sflag:s17], $0x2800  }
.Ltmp2:
0x4b: {  	[sflag:s17] =	ssyncset.done $0x0;
	(pc) =	sbr.rel @p1 .LBB2_6-.Ltmp2, $4  }
0x4c: {  	[sflag:s17] =	ssyncadd.s32 $0xFFFFD800  }
0x4d: {  	[spmem:s3] =	stream.indirect.scatter.add.f32 [tilespmem:s16], [sflag:$0x2], $0x80, s14, s15, $0xb8;
	[tilespmem:$0x16980] =	vst v63  }
0x4e: {  	_ =	swait.ge [sflag:s13], $0x2800  }
0x4f: {  	s20 =	smov.u32 s23;
	[sflag:s13] =	ssyncset.done $0x0  }
0x50: {  	s20 =	sadd.s32 s19, s11;
	[sflag:s13] =	ssyncadd.s32 $0xFFFFD800  }
0x51: {  	[tilespmem:s4], [sflag:$0x2] =	stream.linear.gather [hbm4b:s20+s4], $0x50, $0x38;
	[tilespmem:$0x16980] =	vst v63  }
0x52: {  	_ =	swait.ge [sflag:s13], $0x50  }
0x53: {  	[sflag:s13] =	ssyncset.done $0x0  }
0x54: {  	s29 =	sadd.s32 s19, s10;
	[sflag:s13] =	ssyncadd.s32 $0xFFFFFFB0  }
0x55: {  	[tilespmem:s14], [sflag:$0x2] =	stream.linear.gather [hbm4b:s29+s4], $0x50, $0x38;
	[tilespmem:$0x16980] =	vst v63  }
0x56: {  	_ =	swait.ge [sflag:s13], $0x50  }
0x57: {  	[sflag:s13] =	ssyncset.done $0x0  }
0x58: {  	[sflag:s13] =	ssyncadd.s32 $0xFFFFFFB0  }
0x59: {  	[tilespmem:s16], [sflag:$0x1] =	stream.indirect.gather [hbm4b:s0+s15], $0x80, s4, s15, $0xb8;
	[tilespmem:$0x16980] =	vst v63  }
0x5a: {  	_ =	swait.ge [sflag:s17], $0x2800  }
0x5b: {  	[sflag:s17] =	ssyncset.done $0x0  }
0x5c: {  	[sflag:s17] =	ssyncadd.s32 $0xFFFFD800  }
0x5d: {  	[spmem:s3] =	stream.indirect.scatter.add.f32 [tilespmem:s16], [sflag:$0x2], $0x80, s14, s15, $0xb8;
	[tilespmem:$0x16980] =	vst v63  }
0x5e: {  	_ =	swait.ge [sflag:s13], $0x2800  }
0x5f: {  	[sflag:s13] =	ssyncset.done $0x0  }
0x60: {  	s30 =	sshll.u32 s2, $0x6;
	[sflag:s13] =	ssyncadd.s32 $0xFFFFD800  }
0x61: {  	s31 =	sshrl.u32 s5, $0x3;
	s19 =	sor.u32 $0x1C02, s30;
	[bflag:$0x0] =	sbarrier.arrive $0xFFFF  }
0x62: {  	[hbm:s7], [sflag:s19] =	dma.local [spmem:s31], $0x2700  }
0x63: {  	_ =	swait.ge [sflag:s13], $0x2700  }
0x64: {  	s18 =	sadd.s32 $0x1, s18;
	[sflag:s13] =	ssyncset.done $0x0  }
0x65: {  	s20 =	sshrl.u32 @!p0 s6, $0x3;
	p1 =	sne.s32 s18, s9;
	[sflag:s13] =	ssyncadd.s32 $0xFFFFD900  }
0x66: {  	[hbm:s8], [sflag:s19] =	dma.local @!p0 [spmem:s20], $0x100  }
.Ltmp3:
0x67: {  	_ = 	snop;
	(pc) =	sbr.rel @p1 .LBB2_1-.Ltmp3, $4  }
0x68: {  	s19 =	simm.s32 @!p0 $0x2  }
0x69: {  	_ =	swait.ge @!p0 [sflag:s19], $0x100  }
0x6a: {  	[sflag:s19] =	ssyncset.done @!p0 $0x0  }
0x6b: {  	[sflag:s19] =	ssyncadd.s32 @!p0 $0xFFFFFF00  }
0x6c: {  	_ =	sfence.sel $0x180000  }
0x6d: {  	[bflag:$0x0] =	sbarrier.arrive $0xFFFF  }
0x6e: {  	_ =	strace $0x9000004D  }
0x6f: {  	s0 =	sadd.s32 @!p0 $0x100000, s1;
	[bflag:$0x2] =	sbarrier.arrive $0xFFFF  }
0x70: {  	[sflag:s0] =	ssyncadd.tile.s32 @!p0 $0x1;
	_ =	shalt  }
.Lfunc_end2:
_tile_overlayer_lowered:
.L_overlay_start_2:
0x71: {  	(tag) =	ssettag $0x2  }
0x72: {  	s0 =	rddreg [dreg:$0x0];
	s2 =	stileid.u32  }
0x73: {  	s1 =	rddreg [dreg:$0x1];
	p0 =	sne.s32 s2, $0x0  }
0x74: {  	s3 =	rddreg [dreg:$0x2];
	[bflag:$0x3] =	sbarrier.arrive $0xFFFF;
	s2 =	simm.s32 @!p0 $0x1C02  }
0x75: {  	[timem:s3], [sflag:s2] =	dma.local @!p0 [hbm:s0], s1  }
0x76: {  	s0 =	simm.s32 @!p0 $0x2  }
0x77: {  	_ =	swait.ge @!p0 [sflag:s0], s1  }
0x78: {  	s1 =	ssub.s32 @!p0 $0x0, s1;
	[sflag:s0] =	ssyncset.done @!p0 $0x0  }
0x79: {  	[sflag:s0] =	ssyncadd.s32 @!p0 s1  }
0x7a: {  	[bflag:$0x3] =	sbarrier.arrive $0xFFFF  }
0x7b: {  	_ =	shalt  }

// kernel: kernel.8.cloned.1.call-start
scs
__scs_entry_jumppad:
0x0: {  	(pc) =	sbr.rel $0x88, $3  }
0x1: {  	(tag) =	ssettag $0x0;
	lr =	simm.s32 $0x1  }
0x2: {  	[smem:$0x3F98] =	sst lr;
	_ =	strace $0xD0000000  }
0x3: {  	_ = 	snop  }
0x4: {  	_ = 	snop  }
0x5: {  	_ = 	snop  }
0x6: {  	_ = 	snop  }
0x7: {  	_ = 	snop  }
__scs_overlays_trampoline_lowered:
0x8: {  	[smem:$0x3FA7] =	sst s0  }
0x9: {  	[smem:$0x3FA8] =	sst s1  }
0xa: {  	[smem:$0x3FA9] =	sst s2  }
0xb: {  	[smem:$0x3FAA] =	sst s3  }
0xc: {  	[smem:$0x3FAB] =	sst s4  }
0xd: {  	[smem:$0x3FAC] =	sst s5  }
0xe: {  	[smem:$0x3FAD] =	sst s6  }
0xf: {  	[smem:$0x3FAE] =	sst s7  }
0x10: {  	[smem:$0x3FAF] =	sst s8  }
0x11: {  	[smem:$0x3FB0] =	sst s9;
	s0 =	simm.s32 @!p0 $0x0  }
0x12: {  	s1 =	sld [smem:$0x3F96];
	s0 =	simm.s32 @p0 $0x1  }
0x13: {  	[smem:$0x3FB1] =	sst s0;
	s0 =	simm.s32 @!p1 $0x0  }
0x14: {  	s2 =	sld [smem:$0x3F95];
	s0 =	simm.s32 @p1 $0x1  }
0x15: {  	[smem:$0x3FB2] =	sst s0;
	s0 =	simm.s32 @!p2 $0x0  }
0x16: {  	s3 =	sld [smem:$0x3FDB];
	s0 =	simm.s32 @p2 $0x1  }
0x17: {  	s4 =	simm.s32 $0x1BF5;
	[smem:$0x3FB4] =	sst s0  }
0x18: {  	s0 =	sld [smem:$0x3F97];
	_ =	swait.ge [sflag:s4], $0x0  }
0x19: {  	s7 =	sld [smem:$0x3F98]  }
0x1a: {  	s8 =	sadd.s32 $0xFFFFE003, lr  }
0x1b: {  	s9 =	sadd.s32 $0xFFFFFEF7, lr;
	s5 =	simm.s32 $0xFFFFFFFF;
	p2 =	slt.u32 s8, $0xFFFFF086  }
0x1c: {  	p1 =	slt.u32 s9, $0xF7A;
	s5 =	simm.s32 @!p2 $0x0  }
0x1d: {  	s5 =	simm.s32 @p1 $0x1;
	p0 =	seq.s32 s7, s2  }
0x1e: {  	s7 =	smul.u32 @!p0 $0xF7A, s2;
	p2 =	seq.s32 @!p0 s5, $0x0  }
0x1f: {  	s9 =	smul.u32 $0xF7A, s1;
	s8 =	simm.s32 @!p0 $0x1BF5;
	p2 =	por !p2, p0  }
0x20: {  	[sflag:s8] =	ssyncset.s32 @!p0 $0xFFFFF086;
	s6 =	sadd.s32 @!p0 s3, s7;
	s7 =	simm.s32 @!p0 $0x108  }
0x21: {  	s3 =	sadd.s32 s3, s9;
	s6 =	sadd.s32 @!p0 $0x88, s6;
	s7 =	simm.s32 @p2 $0x1082  }
0x22: {  	[simem:s7], [sflag:s8] =	dma.local @!p0 [hbm:s6], $0xF7A  }
0x23: {  	s9 =	sor.u32 $0xD0000000, s2;
	s6 =	simm.s32 $0x108;
	_ =	swait.ge @!p0 [sflag:s8], $0x0  }
0x24: {  	s3 =	sadd.s32 $0x88, s3;
	s6 =	simm.s32 @!p1 $0x1082;
	[sflag:s4] =	ssyncset.s32 $0xFFFFF086  }
0x25: {  	[simem:s6], [sflag:s4] =	dma.local [hbm:s3], $0xF7A  }
0x26: {  	[smem:$0x3F98] =	sst s1;
	(tag) =	ssettag s2;
	_ =	strace s9  }
0x27: {  	s1 =	sld [smem:$0x3FA8]  }
0x28: {  	s2 =	sld [smem:$0x3FA9]  }
0x29: {  	s4 =	sld [smem:$0x3FAB]  }
0x2a: {  	p0 =	seq.s32 s5, $0x0;
	s5 =	sld [smem:$0x3FAC]  }
0x2b: {  	s6 =	sld [smem:$0x3FAD]  }
0x2c: {  	s7 =	sld [smem:$0x3FAE]  }
0x2d: {  	s3 =	simm.s32 $0x108;
	s8 =	sld [smem:$0x3FAF]  }
0x2e: {  	s3 =	simm.s32 @!p0 $0x1082;
	s9 =	sld [smem:$0x3FB0]  }
0x2f: {  	lr =	sadd.s32 s0, s3;
	s0 =	sld [smem:$0x3FA7]  }
0x30: {  	s3 =	sld [smem:$0x3FAA]  }
0x31: {  	[smem:$0x3FB3] =	sst s10  }
0x32: {  	s10 =	sld [smem:$0x3FB1];
	_ =	sdelay $0x3  }
0x33: {  	p0 =	seq.s32 s10, $0x1;
	s10 =	sld [smem:$0x3FB3];
	_ =	sdelay $0x3  }
0x34: {  	[smem:$0x3FB3] =	sst s10  }
0x35: {  	s10 =	sld [smem:$0x3FB2];
	_ =	sdelay $0x3  }
0x36: {  	p1 =	seq.s32 s10, $0x1;
	s10 =	sld [smem:$0x3FB3];
	_ =	sdelay $0x3  }
0x37: {  	[smem:$0x3FB3] =	sst s10  }
0x38: {  	s10 =	sld [smem:$0x3FB4]  }
0x39: {  	_ = 	snop;
	(pc) =	sbr.ind lr, $3  }
0x3a: {  	_ = 	snop  }
0x3b: {  	_ = 	snop  }
0x3c: {  	p2 =	seq.s32 s10, $0x1;
	s10 =	sld [smem:$0x3FB3]  }
0x3d: {  	_ =	shalt  }
0x3e: {  	_ =	shalt  }
0x3f: {  	_ =	shalt  }
0x40: {  	_ =	shalt  }
0x41: {  	_ =	shalt  }
0x42: {  	_ =	shalt  }
0x43: {  	_ =	shalt  }
0x44: {  	_ =	shalt  }
0x45: {  	_ =	shalt  }
0x46: {  	_ =	shalt  }
0x47: {  	_ =	shalt  }
0x48: {  	_ =	shalt  }
0x49: {  	_ =	shalt  }
0x4a: {  	_ =	shalt  }
0x4b: {  	_ =	shalt  }
0x4c: {  	_ =	shalt  }
0x4d: {  	_ =	shalt  }
0x4e: {  	_ =	shalt  }
0x4f: {  	_ =	shalt  }
0x50: {  	_ =	shalt  }
0x51: {  	_ =	shalt  }
0x52: {  	_ =	shalt  }
0x53: {  	_ =	shalt  }
0x54: {  	_ =	shalt  }
0x55: {  	_ =	shalt  }
0x56: {  	_ =	shalt  }
0x57: {  	_ =	shalt  }
0x58: {  	_ =	shalt  }
0x59: {  	_ =	shalt  }
0x5a: {  	_ =	shalt  }
0x5b: {  	_ =	shalt  }
0x5c: {  	_ =	shalt  }
0x5d: {  	_ =	shalt  }
0x5e: {  	_ =	shalt  }
0x5f: {  	_ =	shalt  }
0x60: {  	_ =	shalt  }
0x61: {  	_ =	shalt  }
0x62: {  	_ =	shalt  }
0x63: {  	_ =	shalt  }
0x64: {  	_ =	shalt  }
0x65: {  	_ =	shalt  }
0x66: {  	_ =	shalt  }
0x67: {  	_ =	shalt  }
0x68: {  	_ =	shalt  }
0x69: {  	_ =	shalt  }
0x6a: {  	_ =	shalt  }
0x6b: {  	_ =	shalt  }
0x6c: {  	_ =	shalt  }
0x6d: {  	_ =	shalt  }
0x6e: {  	_ =	shalt  }
0x6f: {  	_ =	shalt  }
0x70: {  	_ =	shalt  }
0x71: {  	_ =	shalt  }
0x72: {  	_ =	shalt  }
0x73: {  	_ =	shalt  }
0x74: {  	_ =	shalt  }
0x75: {  	_ =	shalt  }
0x76: {  	_ =	shalt  }
0x77: {  	_ =	shalt  }
0x78: {  	_ =	shalt  }
0x79: {  	_ =	shalt  }
0x7a: {  	_ =	shalt  }
0x7b: {  	_ =	shalt  }
0x7c: {  	_ =	shalt  }
0x7d: {  	_ =	shalt  }
0x7e: {  	_ =	shalt  }
0x7f: {  	_ =	shalt  }
0x80: {  	_ =	shalt  }
0x81: {  	_ =	shalt  }
0x82: {  	_ =	shalt  }
0x83: {  	_ =	shalt  }
0x84: {  	_ =	shalt  }
0x85: {  	_ =	shalt  }
0x86: {  	_ =	shalt  }
0x87: {  	_ =	shalt  }
.Lfunc_end0:
.L_simem_size_0:
called_computation_lowered:
.L_overlay_start_0:
0x88: {  	s2 =	sld [smem:$0x3FD9]  }
0x89: {  	s3 =	sld [smem:$0x3FFE];
	_ =	sdelay $0x1  }
0x8a: {  	s1 =	srdreg.scid  }
0x8b: {  	s0 =	sand.u32 $0x1, s1  }
0x8c: {  	s17 =	sshll.u32 s0, $0xA;
	s2 =	sadd.s32 s3, s2  }
0x8d: {  	s2 =	sadd.s32 s2, s17  }
0x8e: {  	[smem:$0x3FBF] =	sst s2  }
0x8f: {  	_ = 	snop  }
0x90: {  	s2 =	sld [smem:$0x3FD0];
	(tm) =	ssettm $0x1  }
0x91: {  	s18 =	sld [smem:$0x3FFB];
	_ =	sdelay $0x3  }
0x92: {  	_ =	strace s18  }
0x93: {  	s3 =	sld [smem:$0x3FFC];
	_ =	sdelay $0x3  }
0x94: {  	_ =	strace s3  }
0x95: {  	s3 =	sld [smem:$0x3FFD];
	_ =	sdelay $0x3  }
0x96: {  	_ =	strace s3  }
0x97: {  	_ =	strace $0x8FFFFFFF  }
0x98: {  	s19 =	sld [smem:$0x3FDB];
	_ =	sdelay $0x1  }
0x99: {  	s4 =	simm.s32 $_scs_section_size  }
0x9a: {  	s5 =	simm.s32 $_size__tile_overlayer_lowered;
	s6 =	simm.s32 $_tile_overlayer_lowered  }
0x9b: {  	s22 =	simm.s32 $0x1BFF;
	s21 =	sshll.u32 s6, $0x1;
	s3 =	sadd.s32 s4, s19  }
0x9c: {  	s7 =	simm.s32 $0x0;
	s20 =	sshll.u32 s5, $0x1;
	s5 =	sadd.s32 s21, s3  }
0x9d: {  	[timem:s7], [sflag:s22] =	dma.local [hbm:s5], s20  }
0x9e: {  	_ =	swait.ge [sflag:s22], s20  }
0x9f: {  	s4 =	ssub.s32 $0x0, s20;
	[sflag:s22] =	ssyncset.done $0x0  }
0xa0: {  	[sflag:s22] =	ssyncadd.s32 s4;
	_ =	sdelay $0x1  }
0xa1: {  	s23 =	simm.s32 $0x1B8B  }
0xa2: {  	_ =	swait.ge [sflag:s23], $0x1  }
0xa3: {  	[sflag:s23] =	ssyncset.done $0x0  }
0xa4: {  	s25 =	simm.s32 $0x1B8E;
	s24 =	sld [smem:$0x3FFE];
	[sflag:s23] =	ssyncadd.s32 $0xFFFFFFFF  }
0xa5: {  	s26 =	simm.s32 $execute0_lowered;
	[smem:$0x3FD2] =	sst s25  }
0xa6: {  	s5 =	sshll.u32 s26, $0x1;
	_ =	strace $0x80000046;
	[dreg:$0x1] =	wrdreg $0xFFFFFFFF  }
0xa7: {  	s28 =	simm.s32 $_size_execute0_lowered;
	s3 =	sadd.s32 s3, s5;
	[dreg:$0x0] =	wrdreg $0x0  }
0xa8: {  	s5 =	sshll.u32 s28, $0x1;
	[dreg:$0x2] =	wrdreg s3  }
0xa9: {  	[dreg:$0x3] =	wrdreg s5  }
0xaa: {  	[dreg:$0x4] =	wrdreg $0xC0  }
0xab: {  	_ =	task [dreg:s7], $0x5FFFF  }
0xac: {  	[dreg:$0x1] =	wrdreg $0xFFFFFFFF  }
0xad: {  	[dreg:$0x0] =	wrdreg $0x60  }
0xae: {  	[dreg:$0x2] =	wrdreg s24  }
0xaf: {  	[dreg:$0x3] =	wrdreg s2  }
0xb0: {  	[dreg:$0x4] =	wrdreg $0xB500  }
0xb1: {  	[dreg:$0x5] =	wrdreg $0x32600  }
0xb2: {  	[dreg:$0x6] =	wrdreg $0x9  }
0xb3: {  	_ =	task.clear_ibuf [dreg:s7], $0x7FFFF;
	_ =	strace $0x90000046  }
0xb4: {  	s29 =	simm.s32 $0x9;
	_ =	strace $0x80000048  }
0xb5: {  	_ =	swait.ge [sflag:s29], $0x1  }
0xb6: {  	[sflag:s29] =	ssyncadd.s32 $0xFFFFFFFF  }
0xb7: {  	_ =	strace $0x90000048  }
0xb8: {  	_ =	sfence  }
0xb9: {  	s30 =	sld [smem:$0x0];
	_ =	sdelay $0x2  }
0xba: {  	s31 =	sshll.u32 s1, $0xD;
	s1 =	sshrl.u32 s1, $0x2  }
0xbb: {  	s3 =	sand.u32 $0x4000, s31;
	s1 =	sadd.s32 s1, s30  }
0xbc: {  	s0 =	sor.u32 s3, s0;
	s1 =	sshll.u32 s1, $0x11  }
0xbd: {  	s0 =	sor.u32 s1, s0  }
0xbe: {  	s0 =	sadd.s32 $0x8F2B, s0  }
0xbf: {  	[sflag:s0] =	ssyncadd.remote.s32 $0x1  }
0xc0: {  	_ =	sfence.sel $0xFFFF  }
0xc1: {  	[dreg:$0x0] =	wrdreg $0xFFFFFFFF;
	(pc) =	sbr.abs _section_cstart, $3  }
0xc2: {  	[dreg:$0x1] =	wrdreg $0xFFFFFFFF  }
0xc3: {  	_ =	task.clear_ibuf [dreg:s7], $0x2FFFF;
	_ =	strace $0x9FFFFFFF  }
0xc4: {  	(tm) =	ssettm $0x7FFFFFFF  }
0xc5: {  	_ =	shalt  }
tec
execute0_lowered:
.L_overlay_start_1:
0x0: {  	(tag) =	ssettag $0x1  }
0x1: {  	s5 =	rddreg [dreg:$0x0]  }
0x2: {  	s12 =	rddreg [dreg:$0x1];
	s2 =	stileid.u32  }
0x3: {  	s0 =	rddreg [dreg:$0x2];
	s6 =	smul.u32 $0x4E20, s2  }
0x4: {  	s1 =	srdreg.scid;
	s8 =	smul.u32 $0x9C40, s2  }
0x5: {  	s3 =	rddreg [dreg:$0x3];
	s4 =	simm.s32 $0x0;
	s28 =	smul.u32 $0x9C00, s2  }
0x6: {  	s10 =	sand.u32 $0x1, s1;
	s1 =	rddreg [dreg:$0x4];
	s13 =	smul.u32 $0x2700, s2  }
0x7: {  	s22 =	simm.s32 $0x0;
	[smem:$0x7FF] =	sst s4;
	s7 =	smul.u32 $0x2710, s10  }
0x8: {  	s14 =	sadd.s32 $0x16600, s5;
	p0 =	sne.s32 s2, $0x0;
	s11 =	smul.u32 $0x27100, s10  }
0x9: {  	_ =	strace $0x80000047;
	s29 =	ssub.s32 $0x2, s10;
	s20 =	smul.u32 $0x4E20, s10  }
0xa: {  	s15 =	sadd.s32 s8, s5;
	s30 =	sshrl.u32 s29, $0x1;
	s8 =	sadd.s32 $0x27000, s3  }
0xb: {  	s21 =	sadd.s32 s13, s0;
	s6 =	sadd.s32 s7, s6;
	s7 =	sshrl.u32 s28, $0x2  }
0xc: {  	s17 =	ssub.s32 s29, s30;
	s31 =	sadd.s32 s13, s11;
	s11 =	sshrl.u32 s11, $0x3  }
0xd: {  	s15 =	sadd.s32 s20, s15;
	s20 =	simm.s32 $0x550;
	s21 =	sshrl.u32 s21, $0x3  }
0xe: {  	s6 =	sshrl.u32 s6, $0x3;
	s18 =	sshrl.u32 s31, $0x3;
	s19 =	sadd.s32 $0x4E00, s11  }
0xf: {  	s11 =	sadd.s32 s13, s3;
	s15 =	sadd.s32 $0x4E4A00, s15;
	s16 =	sadd.s32 s6, s5  }
0x10: {  	s5 =	sadd.s32 s7, s0;
	s6 =	sadd.s32 $0x27000, s0;
	s7 =	sadd.s32 s7, s3  }
0x11: {  	s9 =	sadd.s32 s12, s18;
	s10 =	sadd.s32 s14, s18;
	s12 =	sadd.s32 s12, s19  }
0x12: {  	s13 =	sadd.s32 s14, s19;
	s14 =	smax.u32 s17, $0x1;
	s17 =	simm.s32 $0xA50  }
0x13: {  	v0 =	vimm.f32 $1.000000000e+00;
	v1 =	vimm.f32 $0.0e+00;
	s18 =	simm.s32 $0x1;
	s19 =	simm.s32 $0x50;
	s16 =	sadd.s32 $0xC800, s16  }
.LBB2_1:
0x14: {  	s23 =	simm.s32 $0x40;
	s24 =	simm.s32 $0x0  }
.LBB2_2:
0x15: {  	p1 =	sne.s32 s23, $0x13C0;
	[tilespmem:s24+$0x550] =	vst v0;
	s24 =	smov.u32 s23;
	s23 =	sadd.s32 $0x40, s23  }
.Ltmp0:
0x16: {  	(pc) =	sbr.rel @p1 .LBB2_2-.Ltmp0, $2  }
0x17: {  	_ =	sdelay $0x2  }
0x18: {  	s24 =	sshra.s32 s24, $0x2  }
0x19: {  	[tilespmem:s24+$0x550] =	vst v0  }
0x1a: {  	[tilespmem:$0xA50] =	vst v1  }
0x1b: {  	[tilespmem:$0xA60] =	vst v1  }
0x1c: {  	[tilespmem:$0xA70] =	vst v1  }
0x1d: {  	[tilespmem:$0xA80] =	vst v1  }
0x1e: {  	[tilespmem:$0xA90] =	vst v1  }
0x1f: {  	[tilespmem:$0xAA0] =	vst v1  }
0x20: {  	[tilespmem:$0xAB0] =	vst v1  }
0x21: {  	[tilespmem:$0xAC0] =	vst v1  }
0x22: {  	[tilespmem:$0xAD0] =	vst v1  }
0x23: {  	[tilespmem:$0xAE0] =	vst v1  }
0x24: {  	[tilespmem:$0xAF0] =	vst v1  }
0x25: {  	[tilespmem:$0xB00] =	vst v1  }
0x26: {  	[tilespmem:$0xB10] =	vst v1  }
0x27: {  	[tilespmem:$0xB20] =	vst v1  }
0x28: {  	[tilespmem:$0xB30] =	vst v1  }
0x29: {  	s23 =	sadd.s32 $0x0, s5;
	[tilespmem:$0xB40] =	vst v1  }
0x2a: {  	[spmem:s23] =	stream.linear.scatter [tilespmem:s17], [sflag:$0x1], $0x100, $0x38;
	[tilespmem:$0x5970] =	vst v63  }
0x2b: {  	s23 =	simm.s32 $0x400;
	_ =	swait.ge [sflag:s18], $0x100  }
.LBB2_4:
0x2c: {  	s24 =	sshra.s32 s23, $0x2;
	[sflag:s18] =	ssyncset.done $0x0;
	p1 =	sne.s32 s23, $0x9800  }
.Ltmp1:
0x2d: {  	s24 =	sadd.s32 s24, s5;
	[sflag:s18] =	ssyncadd.s32 $0xFFFFFF00;
	(pc) =	sbr.rel @p1 .LBB2_4-.Ltmp1, $3  }
0x2e: {  	[spmem:s24] =	stream.linear.scatter [tilespmem:s17], [sflag:$0x1], $0x100, $0x38;
	[tilespmem:$0x5970] =	vst v63  }
0x2f: {  	s23 =	sadd.s32 $0x400, s23;
	_ =	sdelay $0x1  }
0x30: {  	_ =	swait.ge [sflag:s18], $0x100  }
0x31: {  	[sflag:s18] =	ssyncset.done $0x0  }
0x32: {  	s23 =	simm.s32 @!p0 $0xA50;
	[sflag:s18] =	ssyncadd.s32 $0xFFFFFF00  }
0x33: {  	[spmem:s6] =	stream.linear.scatter @!p0 [tilespmem:s23], [sflag:$0x1], $0x100, $0x38;
	[tilespmem:$0x5970] =	vst v63  }
0x34: {  	s23 =	simm.s32 @!p0 $0x1  }
0x35: {  	_ =	swait.ge @!p0 [sflag:s23], $0x100  }
0x36: {  	[sflag:s23] =	ssyncset.done @!p0 $0x0  }
0x37: {  	s31 =	sadd.s32 $0x0, s7;
	[sflag:s23] =	ssyncadd.s32 @!p0 $0xFFFFFF00  }
0x38: {  	[spmem:s31] =	stream.linear.scatter [tilespmem:s17], [sflag:$0x1], $0x100, $0x38;
	[tilespmem:$0x5970] =	vst v63  }
0x39: {  	s23 =	simm.s32 $0x400;
	_ =	swait.ge [sflag:s18], $0x100  }
.LBB2_6:
0x3a: {  	s24 =	sshra.s32 s23, $0x2;
	[sflag:s18] =	ssyncset.done $0x0;
	p1 =	sne.s32 s23, $0x9800  }
.Ltmp2:
0x3b: {  	s24 =	sadd.s32 s24, s7;
	[sflag:s18] =	ssyncadd.s32 $0xFFFFFF00;
	(pc) =	sbr.rel @p1 .LBB2_6-.Ltmp2, $3  }
0x3c: {  	[spmem:s24] =	stream.linear.scatter [tilespmem:s17], [sflag:$0x1], $0x100, $0x38;
	[tilespmem:$0x5970] =	vst v63  }
0x3d: {  	s23 =	sadd.s32 $0x400, s23;
	_ =	sdelay $0x1  }
0x3e: {  	_ =	swait.ge [sflag:s18], $0x100  }
0x3f: {  	[sflag:s18] =	ssyncset.done $0x0  }
0x40: {  	s23 =	simm.s32 @!p0 $0xA50;
	[sflag:s18] =	ssyncadd.s32 $0xFFFFFF00  }
0x41: {  	[spmem:s8] =	stream.linear.scatter @!p0 [tilespmem:s23], [sflag:$0x1], $0x100, $0x38;
	[tilespmem:$0x5970] =	vst v63  }
0x42: {  	s23 =	simm.s32 @!p0 $0x1  }
0x43: {  	_ =	swait.ge @!p0 [sflag:s23], $0x100  }
0x44: {  	[sflag:s23] =	ssyncset.done @!p0 $0x0  }
0x45: {  	[sflag:s23] =	ssyncadd.s32 @!p0 $0xFFFFFF00  }
0x46: {  	s31 =	sadd.s32 $0x0, s16;
	[bflag:$0x0] =	sbarrier.arrive $0xFFFF  }
0x47: {  	[tilespmem:s4], [sflag:$0x1] =	stream.linear.gather [hbm4b:s31+s4], $0x50, $0x38;
	[tilespmem:$0x5970] =	vst v63  }
0x48: {  	_ =	swait.ge [sflag:s18], $0x50  }
0x49: {  	[sflag:s18] =	ssyncset.done $0x0  }
0x4a: {  	[sflag:s18] =	ssyncadd.s32 $0xFFFFFFB0  }
0x4b: {  	[tilespmem:s19], [sflag:$0x1] =	stream.linear.gather [hbm4b:s15+s4], $0x500, $0x38;
	[tilespmem:$0x5970] =	vst v63  }
0x4c: {  	_ =	swait.ge [sflag:s18], $0x500  }
0x4d: {  	[sflag:s18] =	ssyncset.done $0x0  }
0x4e: {  	[sflag:s18] =	ssyncadd.s32 $0xFFFFFB00  }
0x4f: {  	[spmem:s0] =	stream.indirect.scatter.add.f32 [tilespmem:s19], [sflag:$0x1], $0x10, s4, s19, $0xb8;
	[tilespmem:$0x5970] =	vst v63  }
0x50: {  	_ =	swait.ge [sflag:s18], $0x500  }
0x51: {  	[sflag:s18] =	ssyncset.done $0x0  }
0x52: {  	[sflag:s18] =	ssyncadd.s32 $0xFFFFFB00  }
0x53: {  	[spmem:s3] =	stream.indirect.scatter.add.f32 [tilespmem:s20], [sflag:$0x1], $0x10, s4, s19, $0xb8;
	[tilespmem:$0x5970] =	vst v63  }
0x54: {  	s24 =	simm.s32 $0xA;
	_ =	swait.ge [sflag:s18], $0x500  }
0x55: {  	s25 =	simm.s32 $0x14;
	s23 =	sadd.s32 $0xA0, s15;
	[sflag:s18] =	ssyncset.done $0x0  }
.LBB2_8:
0x56: {  	s26 =	sadd.s32 s24, s16  }
0x57: {  	[sflag:s18] =	ssyncadd.s32 $0xFFFFFB00;
	s24 =	smov.u32 s25;
	s28 =	sadd.s32 $0xA, s25  }
0x58: {  	[tilespmem:s4], [sflag:$0x1] =	stream.linear.gather [hbm4b:s26+s4], $0x50, $0x38;
	[tilespmem:$0x5970] =	vst v63  }
0x59: {  	p1 =	sne.s32 s25, $0x4D8;
	_ =	swait.ge [sflag:s18], $0x50  }
0x5a: {  	[sflag:s18] =	ssyncset.done $0x0  }
0x5b: {  	[sflag:s18] =	ssyncadd.s32 $0xFFFFFFB0  }
0x5c: {  	[tilespmem:s19], [sflag:$0x1] =	stream.linear.gather [hbm4b:s23+s4], $0x500, $0x38;
	[tilespmem:$0x5970] =	vst v63  }
0x5d: {  	_ =	swait.ge [sflag:s18], $0x500  }
0x5e: {  	[sflag:s18] =	ssyncset.done $0x0  }
0x5f: {  	[sflag:s18] =	ssyncadd.s32 $0xFFFFFB00  }
0x60: {  	[spmem:s0] =	stream.indirect.scatter.add.f32 [tilespmem:s19], [sflag:$0x1], $0x10, s4, s19, $0xb8;
	[tilespmem:$0x5970] =	vst v63  }
0x61: {  	_ =	swait.ge [sflag:s18], $0x500  }
.Ltmp3:
0x62: {  	[sflag:s18] =	ssyncset.done $0x0;
	(pc) =	sbr.rel @p1 .LBB2_8-.Ltmp3, $4  }
0x63: {  	[sflag:s18] =	ssyncadd.s32 $0xFFFFFB00  }
0x64: {  	[spmem:s3] =	stream.indirect.scatter.add.f32 [tilespmem:s20], [sflag:$0x1], $0x10, s4, s19, $0xb8;
	[tilespmem:$0x5970] =	vst v63  }
0x65: {  	_ =	swait.ge [sflag:s18], $0x500  }
0x66: {  	s25 =	smov.u32 s28;
	s23 =	sadd.s32 $0xA0, s23;
	[sflag:s18] =	ssyncset.done $0x0  }
0x67: {  	s24 =	sadd.s32 s24, s16;
	[sflag:s18] =	ssyncadd.s32 $0xFFFFFB00  }
0x68: {  	[tilespmem:s4], [sflag:$0x1] =	stream.linear.gather [hbm4b:s24+s4], $0x50, $0x38;
	[tilespmem:$0x5970] =	vst v63  }
0x69: {  	_ =	swait.ge [sflag:s18], $0x50  }
0x6a: {  	[sflag:s18] =	ssyncset.done $0x0  }
0x6b: {  	[sflag:s18] =	ssyncadd.s32 $0xFFFFFFB0  }
0x6c: {  	[tilespmem:s19], [sflag:$0x1] =	stream.linear.gather [hbm4b:s23+s4], $0x500, $0x38;
	[tilespmem:$0x5970] =	vst v63  }
0x6d: {  	_ =	swait.ge [sflag:s18], $0x500  }
0x6e: {  	[sflag:s18] =	ssyncset.done $0x0  }
0x6f: {  	[sflag:s18] =	ssyncadd.s32 $0xFFFFFB00  }
0x70: {  	[spmem:s0] =	stream.indirect.scatter.add.f32 [tilespmem:s19], [sflag:$0x1], $0x10, s4, s19, $0xb8;
	[tilespmem:$0x5970] =	vst v63  }
0x71: {  	_ =	swait.ge [sflag:s18], $0x500  }
0x72: {  	[sflag:s18] =	ssyncset.done $0x0  }
0x73: {  	[sflag:s18] =	ssyncadd.s32 $0xFFFFFB00  }
0x74: {  	[spmem:s3] =	stream.indirect.scatter.add.f32 [tilespmem:s20], [sflag:$0x1], $0x10, s4, s19, $0xb8;
	[tilespmem:$0x5970] =	vst v63  }
0x75: {  	_ =	swait.ge [sflag:s18], $0x500  }
0x76: {  	[sflag:s18] =	ssyncset.done $0x0  }
0x77: {  	s31 =	sshll.u32 s2, $0x6;
	[sflag:s18] =	ssyncadd.s32 $0xFFFFFB00  }
0x78: {  	s23 =	sor.u32 $0x1C01, s31;
	[bflag:$0x0] =	sbarrier.arrive $0xFFFF  }
0x79: {  	[hbm:s9], [sflag:s23] =	dma.local [spmem:s21], $0x4E0  }
0x7a: {  	_ =	swait.ge [sflag:s18], $0x4E0  }
0x7b: {  	[sflag:s18] =	ssyncset.done $0x0  }
0x7c: {  	s24 =	sshrl.u32 @p0 s11, $0x3;
	[sflag:s18] =	ssyncadd.s32 $0xFFFFFB20  }
0x7d: {  	[hbm:s10], [sflag:s23] =	dma.local @p0 [spmem:s24], $0x4E0  }
0x7e: {  	s24 =	simm.s32 @p0 $0x1  }
0x7f: {  	_ =	swait.ge @p0 [sflag:s24], $0x4E0  }
0x80: {  	[sflag:s24] =	ssyncset.done @p0 $0x0  }
0x81: {  	[sflag:s24] =	ssyncadd.s32 @p0 $0xFFFFFB20;
	s24 =	sshrl.u32 @!p0 s6, $0x3  }
0x82: {  	[hbm:s12], [sflag:s23] =	dma.local @!p0 [spmem:s24], $0x20  }
0x83: {  	s24 =	simm.s32 @!p0 $0x1  }
0x84: {  	_ =	swait.ge @!p0 [sflag:s24], $0x20  }
0x85: {  	[sflag:s24] =	ssyncset.done @!p0 $0x0  }
0x86: {  	s25 =	sshrl.u32 @!p0 s11, $0x3;
	[sflag:s24] =	ssyncadd.s32 @!p0 $0xFFFFFFE0  }
0x87: {  	[hbm:s10], [sflag:s23] =	dma.local @!p0 [spmem:s25], $0x4E0  }
0x88: {  	s22 =	sadd.s32 $0x1, s22;
	_ =	swait.ge @!p0 [sflag:s24], $0x4E0  }
0x89: {  	p1 =	sne.s32 s22, s14;
	[sflag:s24] =	ssyncset.done @!p0 $0x0  }
.Ltmp4:
0x8a: {  	s25 =	sshrl.u32 @!p0 s8, $0x3;
	[sflag:s24] =	ssyncadd.s32 @!p0 $0xFFFFFB20;
	(pc) =	sbr.rel @p1 .LBB2_1-.Ltmp4, $4  }
0x8b: {  	[hbm:s13], [sflag:s23] =	dma.local @!p0 [spmem:s25], $0x20  }
0x8c: {  	_ =	swait.ge @!p0 [sflag:s24], $0x20  }
0x8d: {  	[sflag:s24] =	ssyncset.done @!p0 $0x0  }
0x8e: {  	[sflag:s24] =	ssyncadd.s32 @!p0 $0xFFFFFFE0  }
0x8f: {  	_ =	sfence.sel $0x180000  }
0x90: {  	[bflag:$0x0] =	sbarrier.arrive $0xFFFF  }
0x91: {  	_ =	strace $0x90000047  }
0x92: {  	s0 =	sadd.s32 @!p0 $0x100000, s1;
	[bflag:$0x2] =	sbarrier.arrive $0xFFFF  }
0x93: {  	[sflag:s0] =	ssyncadd.tile.s32 @!p0 $0x1;
	_ =	shalt  }
.Lfunc_end2:
_tile_overlayer_lowered:
.L_overlay_start_2:
0x94: {  	(tag) =	ssettag $0x2  }
0x95: {  	s0 =	rddreg [dreg:$0x0];
	s2 =	stileid.u32  }
0x96: {  	s1 =	rddreg [dreg:$0x1];
	p0 =	sne.s32 s2, $0x0  }
0x97: {  	s3 =	rddreg [dreg:$0x2];
	[bflag:$0x3] =	sbarrier.arrive $0xFFFF;
	s2 =	simm.s32 @!p0 $0x1C01  }
0x98: {  	[timem:s3], [sflag:s2] =	dma.local @!p0 [hbm:s0], s1  }
0x99: {  	s0 =	simm.s32 @!p0 $0x1  }
0x9a: {  	_ =	swait.ge @!p0 [sflag:s0], s1  }
0x9b: {  	s1 =	ssub.s32 @!p0 $0x0, s1;
	[sflag:s0] =	ssyncset.done @!p0 $0x0  }
0x9c: {  	[sflag:s0] =	ssyncadd.s32 @!p0 s1  }
0x9d: {  	[bflag:$0x3] =	sbarrier.arrive $0xFFFF  }
0x9e: {  	_ =	shalt  }

</sc_bundles>
